<compile_context>
chip_gen: v7x
topology: tpu7x:2x2x1
jax: 0.10.2.dev20260603
libtpu: 0.0.44.dev20260713+nightly
codegen_flags: <defaults>
</compile_context>

<pallas_src>
import functools

import jax
import jax.numpy as jnp
from jax import lax
from jax.experimental import pallas as pl
from jax.experimental.pallas import tpu as pltpu
from jax.experimental.pallas import tpu_sc as plsc

N = 10000
E = 320000
H = 128
G = 64
EPS = 1e-5

NC = 2
NS = 16
NW = NC * NS
CH = 128
EPW = ((E // NW + CH - 1) // CH) * CH
NCHUNK = EPW // CH
E_PAD = EPW * NW
NPAD = ((N + NS * 8 - 1) // (NS * 8)) * (NS * 8)
ZROWS = NPAD // NS
OROWS = (N // NS) // 8 * 8
OREM = N - OROWS * NS
NP8 = N + 8


def _mesh():
    return plsc.VectorSubcoreMesh(core_axis_name="c", subcore_axis_name="s",
                                  num_cores=NC, num_subcores=NS)


def _sc_deg(dst_pad, ones128, zeros128):
    @functools.partial(
        pl.kernel,
        mesh=_mesh(),
        out_type=jax.ShapeDtypeStruct((NC, N, H), jnp.float32),
        scratch_types=[
            pltpu.VMEM((CH,), jnp.int32),
            pltpu.VMEM((CH, H), jnp.float32),
            pltpu.VMEM_SHARED((NPAD, H), jnp.float32),
            pltpu.SemaphoreType.DMA,
        ],
    )
    def k(dst_hbm, ones_hbm, zeros_hbm, out_hbm, didx, ones_v, shared, sem):
        c = lax.axis_index("c")
        s = lax.axis_index("s")
        wid = c * NS + s
        pltpu.sync_copy(zeros_hbm.at[pl.ds(s * ZROWS, ZROWS)],
                        shared.at[pl.ds(s * ZROWS, ZROWS)])
        pltpu.sync_copy(ones_hbm, ones_v)
        base = pl.multiple_of(wid * EPW, CH)
        plsc.subcore_barrier()

        def body(j, carry):
            st = pl.multiple_of(base + j * CH, CH)
            pltpu.sync_copy(dst_hbm.at[pl.ds(st, CH)], didx)
            pltpu.sync_copy(ones_v, shared.at[didx], add=True)
            return carry

        lax.fori_loop(0, NCHUNK, body, 0)
        plsc.subcore_barrier()
        pltpu.sync_copy(shared.at[pl.ds(s * OROWS, OROWS)],
                        out_hbm.at[c, pl.ds(s * OROWS, OROWS)])

        @pl.when(s == 0)
        def _():
            pltpu.sync_copy(shared.at[pl.ds(OROWS * NS, OREM)],
                            out_hbm.at[c, pl.ds(OROWS * NS, OREM)])

    return k(dst_pad, ones128, zeros128)


def _sc_agg(hs_pad, src_pad, dst_pad, zeros128):
    @functools.partial(
        pl.kernel,
        mesh=_mesh(),
        out_type=jax.ShapeDtypeStruct((NC, N, H), jnp.float32),
        scratch_types=[
            pltpu.VMEM((CH,), jnp.int32),
            pltpu.VMEM((CH,), jnp.int32),
            pltpu.VMEM((CH, H), jnp.float32),
            pltpu.VMEM_SHARED((NPAD, H), jnp.float32),
            pltpu.SemaphoreType.DMA,
        ],
    )
    def k(hs_hbm, src_hbm, dst_hbm, zeros_hbm, out_hbm,
          sidx, didx, rows, shared, sem):
        c = lax.axis_index("c")
        s = lax.axis_index("s")
        wid = c * NS + s
        pltpu.sync_copy(zeros_hbm.at[pl.ds(s * ZROWS, ZROWS)],
                        shared.at[pl.ds(s * ZROWS, ZROWS)])
        base = pl.multiple_of(wid * EPW, CH)
        plsc.subcore_barrier()

        def body(j, carry):
            st = pl.multiple_of(base + j * CH, CH)
            pltpu.sync_copy(src_hbm.at[pl.ds(st, CH)], sidx)
            pltpu.sync_copy(dst_hbm.at[pl.ds(st, CH)], didx)
            pltpu.async_copy(hs_hbm.at[sidx], rows, sem).wait()
            pltpu.sync_copy(rows, shared.at[didx], add=True)
            return carry

        lax.fori_loop(0, NCHUNK, body, 0)
        plsc.subcore_barrier()
        pltpu.sync_copy(shared.at[pl.ds(s * OROWS, OROWS)],
                        out_hbm.at[c, pl.ds(s * OROWS, OROWS)])

        @pl.when(s == 0)
        def _():
            pltpu.sync_copy(shared.at[pl.ds(OROWS * NS, OREM)],
                            out_hbm.at[c, pl.ds(OROWS * NS, OREM)])

    return k(hs_pad, src_pad, dst_pad, zeros128)


def _dinv(degs_ref):
    deg = jnp.max(degs_ref[0] + degs_ref[1], axis=1, keepdims=True) + 1.0
    return lax.rsqrt(deg)


def _tc_pre(x, W0, degs):
    def body(x_ref, w_ref, degs_ref, out_ref):
        dinv = _dinv(degs_ref)
        hs = jnp.dot(x_ref[...], w_ref[...],
                     preferred_element_type=jnp.float32) * dinv
        out_ref[pl.ds(0, N), :] = hs
        out_ref[pl.ds(N, 8), :] = jnp.zeros((8, H), jnp.float32)

    return pl.pallas_call(
        body, out_shape=jax.ShapeDtypeStruct((NP8, H), jnp.float32),
    )(x, W0, degs)


def _bn_relu(z, g, bt):
    m = jnp.mean(z, axis=0, keepdims=True)
    v = jnp.mean((z - m) ** 2, axis=0, keepdims=True)
    return jnp.maximum((z - m) * lax.rsqrt(v + EPS) * g + bt, 0.0)


def _tc_mid(agg, hs_pad, degs, b, g, bt, Wn):
    def body(agg_ref, hs_ref, degs_ref, b_ref, g_ref, bt_ref, w_ref, out_ref):
        dinv = _dinv(degs_ref)
        hs = hs_ref[pl.ds(0, N), :]
        z = (agg_ref[0] + agg_ref[1] + hs) * dinv + b_ref[...]
        h = _bn_relu(z, g_ref[...], bt_ref[...])
        out_ref[pl.ds(0, N), :] = jnp.dot(
            h, w_ref[...], preferred_element_type=jnp.float32) * dinv
        out_ref[pl.ds(N, 8), :] = jnp.zeros((8, H), jnp.float32)

    return pl.pallas_call(
        body, out_shape=jax.ShapeDtypeStruct((NP8, H), jnp.float32),
    )(agg, hs_pad, degs, b, g, bt, Wn)


def _tc_post(agg, hs_pad, degs, b, g, bt, batch8, Wo1, bo1, Wo2, bo2):
    def body(agg_ref, hs_ref, degs_ref, b_ref, g_ref, bt_ref, batch_ref,
             wo1_ref, bo1_ref, wo2_ref, bo2_ref, out_ref):
        dinv = _dinv(degs_ref)
        hs = hs_ref[pl.ds(0, N), :]
        z = (agg_ref[0] + agg_ref[1] + hs) * dinv + b_ref[...]
        h = _bn_relu(z, g_ref[...], bt_ref[...])
        bt2d = batch_ref[0:1, :]
        M = (lax.broadcasted_iota(jnp.int32, (G, N), 0) == bt2d
             ).astype(jnp.float32)
        sums = jnp.dot(M, h, preferred_element_type=jnp.float32)
        cnt = jnp.sum(M, axis=1, keepdims=True)
        pooled = sums / jnp.maximum(cnt, 1.0)
        hid = jnp.maximum(
            jnp.dot(pooled, wo1_ref[...],
                    preferred_element_type=jnp.float32) + bo1_ref[...], 0.0)
        out_ref[...] = jnp.dot(
            hid, wo2_ref[...], preferred_element_type=jnp.float32) + bo2_ref[...]

    return pl.pallas_call(
        body, out_shape=jax.ShapeDtypeStruct((G, 1), jnp.float32),
    )(agg, hs_pad, degs, b, g, bt, batch8, Wo1, bo1, Wo2, bo2)


def kernel(x, edge_index, batch, W0, b0, g0, bt0, W1, b1, g1, bt1,
           W2, b2, g2, bt2, Wo1, bo1, Wo2, bo2):
    pad = E_PAD - E
    fill = jnp.full((pad,), N, jnp.int32)
    srcp = jnp.concatenate([edge_index[0], fill])
    dstp = jnp.concatenate([edge_index[1], fill])
    zeros128 = jnp.zeros((NPAD, H), jnp.float32)
    ones128 = jnp.ones((CH, H), jnp.float32)
    batch8 = jnp.broadcast_to(batch[None, :], (8, N))

    degs = _sc_deg(dstp, ones128, zeros128)
    hs = _tc_pre(x, W0, degs)

    agg = _sc_agg(hs, srcp, dstp, zeros128)
    hs = _tc_mid(agg, hs, degs, b0, g0, bt0, W1)

    agg = _sc_agg(hs, srcp, dstp, zeros128)
    hs = _tc_mid(agg, hs, degs, b1, g1, bt1, W2)

    agg = _sc_agg(hs, srcp, dstp, zeros128)
    return _tc_post(agg, hs, degs, b2, g2, bt2, batch8, Wo1, bo1, Wo2, bo2)

# --- scband reference (transcript-rebuilt; emitter-appended) ---
"""Pipeline reference for scband-polymer-gcn-44057774522484 (READ-ONLY COPY).

The authoritative reference and input builder live on the scoring server;
editing this copy changes nothing except your own understanding.
"""

import jax, jax.numpy as jnp
import numpy as np

N = 10000
E = 320000
F_IN = 128
H = 128
G = 64
EPS = 1e-5


def setup_inputs(seed: int = 0) -> dict:
    key = jax.random.key(seed)
    ks = jax.random.split(key, 24)
    inp = {}
    inp["x"] = jax.random.normal(ks[0], (N, F_IN), dtype=jnp.float32)
    inp["edge_index"] = jax.random.randint(ks[1], (2, E), 0, N, dtype=jnp.int32)
    inp["batch"] = jnp.sort(jax.random.randint(ks[2], (N,), 0, G, dtype=jnp.int32))
    dims = [(F_IN, H), (H, H), (H, H)]
    for i, (di, do) in enumerate(dims):
        inp[f"W{i}"] = jax.random.normal(ks[3 + 4 * i], (di, do), dtype=jnp.float32) * 0.05
        inp[f"b{i}"] = jnp.zeros((do,), dtype=jnp.float32)
        inp[f"g{i}"] = jnp.ones((do,), dtype=jnp.float32)
        inp[f"bt{i}"] = jnp.zeros((do,), dtype=jnp.float32)
    inp["Wo1"] = jax.random.normal(ks[20], (H, H // 2), dtype=jnp.float32) * 0.05
    inp["bo1"] = jnp.zeros((H // 2,), dtype=jnp.float32)
    inp["Wo2"] = jax.random.normal(ks[21], (H // 2, 1), dtype=jnp.float32) * 0.05
    inp["bo2"] = jnp.zeros((1,), dtype=jnp.float32)
    return inp


def _gcn_conv(x, edge_index, W, b):
    # PyG GCNConv: linear transform, add self-loops, symmetric normalization, scatter-add
    h = x @ W
    n = h.shape[0]
    loop = jnp.arange(n, dtype=edge_index.dtype)
    src = jnp.concatenate([edge_index[0], loop])
    dst = jnp.concatenate([edge_index[1], loop])
    deg = jnp.zeros((n,), h.dtype).at[dst].add(1.0)
    dinv = jnp.where(deg > 0, deg ** -0.5, 0.0)
    norm = dinv[src] * dinv[dst]
    msgs = h[src] * norm[:, None]
    out = jnp.zeros_like(h).at[dst].add(msgs)
    return out + b


def _bn(x, g, bt):
    mean = jnp.mean(x, axis=0)
    var = jnp.mean((x - mean) ** 2, axis=0)
    return (x - mean) / jnp.sqrt(var + EPS) * g + bt


def reference(x, edge_index, batch, W0, b0, g0, bt0, W1, b1, g1, bt1, W2, b2, g2, bt2, Wo1, bo1, Wo2, bo2):
    h = x
    for W, b, g, bt in [(W0, b0, g0, bt0), (W1, b1, g1, bt1), (W2, b2, g2, bt2)]:
        h = _gcn_conv(h, edge_index, W, b)
        h = _bn(h, g, bt)
        h = jax.nn.relu(h)
    sums = jax.ops.segment_sum(h, batch, num_segments=G)
    cnt = jax.ops.segment_sum(jnp.ones((h.shape[0], 1), h.dtype), batch, num_segments=G)
    pooled = sums / jnp.clip(cnt, 1.0)
    hid = jax.nn.relu(pooled @ Wo1 + bo1)
    return hid @ Wo2 + bo2

if __name__ == "__main__":
    import jax
    _d = setup_inputs()
    print(jax.jit(kernel)(*tuple(_d.values())))

</pallas_src>

<mosaic_0001>
#map = affine_map<(d0, d1) -> (0, 0)>
#map1 = affine_map<(d0, d1) -> (0)>
#map2 = affine_map<(d0, d1) -> (0, 0, 0)>
module attributes {stable_mosaic.version = 14 : i64} {
  func.func @k(%arg0: i32, %arg1: i32, %arg2: memref<10008x128xf32, #tpu.memory_space<hbm>>, %arg3: memref<323584xi32, #tpu.memory_space<hbm>>, %arg4: memref<323584xi32, #tpu.memory_space<hbm>>, %arg5: memref<10112x128xf32, #tpu.memory_space<hbm>>, %arg6: memref<2x10000x128xf32, #tpu.memory_space<hbm>>, %arg7: memref<128xi32, #tpu.memory_space<vmem>>, %arg8: memref<128xi32, #tpu.memory_space<vmem>>, %arg9: memref<128x128xf32, #tpu.memory_space<vmem>>, %arg10: memref<10112x128xf32, #tpu.memory_space<vmem_shared>>, %arg11: memref<!tpu.dma_semaphore, #tpu.memory_space<semaphore_mem>>) attributes {dimension_semantics = [#tpu.dimension_semantics<core_parallel>, #tpu.dimension_semantics<subcore_parallel>], iteration_bounds = array<i64: 2, 16>, scalar_prefetch = 0 : i64, scratch_operands = 5 : i64, tpu.core_type = #tpu.core_type<sc_vector_subcore>, window_params = [{transform_indices = #map}, {transform_indices = #map1}, {transform_indices = #map1}, {transform_indices = #map}, {transform_indices = #map2}]} {
    %mul3A = arith.constant 16 : i32
    %mul3A_0 = arith.muli %arg0, %mul3A : i32
    %add3A = arith.addi %mul3A_0, %arg1 : i32
    %mul3A_1 = arith.constant 632 : i32
    %mul3A_2 = arith.muli %arg1, %mul3A_1 : i32
    %mul3A_3 = arith.constant 632 : i32
    %mul3A_4 = arith.muli %arg1, %mul3A_3 : i32
    "tpu.region"() ({
      %run_scoped3A = tpu.sem_alloc : memref<!tpu.dma_semaphore, #tpu.memory_space<semaphore_mem>>
      %dma_start3A = arith.constant 0 : i32
      %dma_start3A_19 = tpu.memref_slice %arg10[%mul3A_4, %dma_start3A] : memref<10112x128xf32, #tpu.memory_space<vmem_shared>> -> memref<632x128xf32, #tpu.memory_space<vmem_shared>>
      %dma_start3A_20 = arith.constant 0 : i32
      %dma_start3A_21 = tpu.memref_slice %arg5[%mul3A_2, %dma_start3A_20] : memref<10112x128xf32, #tpu.memory_space<hbm>> -> memref<632x128xf32, #tpu.memory_space<hbm>>
      tpu.enqueue_dma source(%dma_start3A_21 : memref<632x128xf32, #tpu.memory_space<hbm>>) target(%dma_start3A_19 : memref<632x128xf32, #tpu.memory_space<vmem_shared>>) target_semaphore(%run_scoped3A : memref<!tpu.dma_semaphore, #tpu.memory_space<semaphore_mem>>)
      %dma_wait3A = arith.constant 0 : i32
      %dma_wait3A_22 = tpu.memref_slice %arg10[%mul3A_4, %dma_wait3A] : memref<10112x128xf32, #tpu.memory_space<vmem_shared>> -> memref<632x128xf32, #tpu.memory_space<vmem_shared>>
      %dma_wait3A_23 = arith.constant 0 : i32
      %dma_wait3A_24 = tpu.memref_slice %arg5[%mul3A_2, %dma_wait3A_23] : memref<10112x128xf32, #tpu.memory_space<hbm>> -> memref<632x128xf32, #tpu.memory_space<hbm>>
      tpu.wait_dma2 semaphore(%run_scoped3A : memref<!tpu.dma_semaphore, #tpu.memory_space<semaphore_mem>>) src(%dma_wait3A_24 : memref<632x128xf32, #tpu.memory_space<hbm>>) dst(%dma_wait3A_22 : memref<632x128xf32, #tpu.memory_space<vmem_shared>>)
      tpu.yield
    }) : () -> ()
    %mul3A_5 = arith.constant 10112 : i32
    %mul3A_6 = arith.muli %add3A, %mul3A_5 : i32
    %multiple_of3A = tpu.assume_multiple %mul3A_6, 128 : i32
    %barrier3A = arith.constant 0 : index
    tpu.barrier barrier_id(%barrier3A)
    %scan3A = arith.constant 0 : i32
    %scan3A_7 = arith.constant 0 : i32
    %scan3A_8 = arith.constant 79 : i32
    %scan3A_9 = arith.addi %scan3A_7, %scan3A_8 : i32
    %scan3A_10 = arith.constant 1 : i32
    scf.for %scan3A_19 = %scan3A_7 to %scan3A_9 step %scan3A_10  : i32 {
      %mul3A_20 = arith.constant 128 : i32
      %mul3A_21 = arith.muli %scan3A_19, %mul3A_20 : i32
      %add3A_22 = arith.addi %multiple_of3A, %mul3A_21 : i32
      %multiple_of3A_23 = tpu.assume_multiple %add3A_22, 128 : i32
      "tpu.region"() ({
        %run_scoped3A = tpu.sem_alloc : memref<!tpu.dma_semaphore, #tpu.memory_space<semaphore_mem>>
        %dma_start3A_28 = tpu.memref_slice %arg3[%multiple_of3A_23] : memref<323584xi32, #tpu.memory_space<hbm>> -> memref<128xi32, #tpu.memory_space<hbm>>
        %dma_start3A_29 = tpu.memref_slice %arg3[%multiple_of3A_23] : memref<323584xi32, #tpu.memory_space<hbm>> -> memref<128xi32, #tpu.memory_space<hbm>>
        tpu.enqueue_dma source(%dma_start3A_29 : memref<128xi32, #tpu.memory_space<hbm>>) target(%arg7 : memref<128xi32, #tpu.memory_space<vmem>>) target_semaphore(%run_scoped3A : memref<!tpu.dma_semaphore, #tpu.memory_space<semaphore_mem>>)
        %dma_wait3A_30 = tpu.memref_slice %arg3[%multiple_of3A_23] : memref<323584xi32, #tpu.memory_space<hbm>> -> memref<128xi32, #tpu.memory_space<hbm>>
        %dma_wait3A_31 = tpu.memref_slice %arg3[%multiple_of3A_23] : memref<323584xi32, #tpu.memory_space<hbm>> -> memref<128xi32, #tpu.memory_space<hbm>>
        tpu.wait_dma2 semaphore(%run_scoped3A : memref<!tpu.dma_semaphore, #tpu.memory_space<semaphore_mem>>) src(%dma_wait3A_31 : memref<128xi32, #tpu.memory_space<hbm>>) dst(%arg7 : memref<128xi32, #tpu.memory_space<vmem>>)
        tpu.yield
      }) : () -> ()
      "tpu.region"() ({
        %run_scoped3A = tpu.sem_alloc : memref<!tpu.dma_semaphore, #tpu.memory_space<semaphore_mem>>
        %dma_start3A_28 = tpu.memref_slice %arg4[%multiple_of3A_23] : memref<323584xi32, #tpu.memory_space<hbm>> -> memref<128xi32, #tpu.memory_space<hbm>>
        %dma_start3A_29 = tpu.memref_slice %arg4[%multiple_of3A_23] : memref<323584xi32, #tpu.memory_space<hbm>> -> memref<128xi32, #tpu.memory_space<hbm>>
        tpu.enqueue_dma source(%dma_start3A_29 : memref<128xi32, #tpu.memory_space<hbm>>) target(%arg8 : memref<128xi32, #tpu.memory_space<vmem>>) target_semaphore(%run_scoped3A : memref<!tpu.dma_semaphore, #tpu.memory_space<semaphore_mem>>)
        %dma_wait3A_30 = tpu.memref_slice %arg4[%multiple_of3A_23] : memref<323584xi32, #tpu.memory_space<hbm>> -> memref<128xi32, #tpu.memory_space<hbm>>
        %dma_wait3A_31 = tpu.memref_slice %arg4[%multiple_of3A_23] : memref<323584xi32, #tpu.memory_space<hbm>> -> memref<128xi32, #tpu.memory_space<hbm>>
        tpu.wait_dma2 semaphore(%run_scoped3A : memref<!tpu.dma_semaphore, #tpu.memory_space<semaphore_mem>>) src(%dma_wait3A_31 : memref<128xi32, #tpu.memory_space<hbm>>) dst(%arg8 : memref<128xi32, #tpu.memory_space<vmem>>)
        tpu.yield
      }) : () -> ()
      %dma_start3A = arith.constant 0 : i32
      %dma_start3A_24 = arith.constant 0 : i32
      %dma_start3A_25 = tpu.memref_slice %arg2[%dma_start3A, %dma_start3A_24] : memref<10008x128xf32, #tpu.memory_space<hbm>> -> memref<10008x128xf32, #tpu.memory_space<hbm>>
      tpu.enqueue_indirect_dma source(%dma_start3A_25 : memref<10008x128xf32, #tpu.memory_space<hbm>>) target(%arg9 : memref<128x128xf32, #tpu.memory_space<vmem>>) offsets(%arg7 : memref<128xi32, #tpu.memory_space<vmem>>) semaphore(%arg11 : memref<!tpu.dma_semaphore, #tpu.memory_space<semaphore_mem>>)
      %dma_wait3A = arith.constant 0 : i32
      %dma_wait3A_26 = arith.constant 0 : i32
      %dma_wait3A_27 = tpu.memref_slice %arg2[%dma_wait3A, %dma_wait3A_26] : memref<10008x128xf32, #tpu.memory_space<hbm>> -> memref<10008x128xf32, #tpu.memory_space<hbm>>
      tpu.wait_indirect_dma semaphore(%arg11 : memref<!tpu.dma_semaphore, #tpu.memory_space<semaphore_mem>>) src(%dma_wait3A_27 : memref<10008x128xf32, #tpu.memory_space<hbm>>) dst(%arg9 : memref<128x128xf32, #tpu.memory_space<vmem>>)
      "tpu.region"() ({
        %run_scoped3A = tpu.sem_alloc : memref<!tpu.dma_semaphore, #tpu.memory_space<semaphore_mem>>
        %dma_start3A_28 = arith.constant 0 : i32
        %dma_start3A_29 = arith.constant 0 : i32
        %dma_start3A_30 = tpu.memref_slice %arg10[%dma_start3A_28, %dma_start3A_29] : memref<10112x128xf32, #tpu.memory_space<vmem_shared>> -> memref<10112x128xf32, #tpu.memory_space<vmem_shared>>
        tpu.enqueue_indirect_dma source(%arg9 : memref<128x128xf32, #tpu.memory_space<vmem>>) target(%dma_start3A_30 : memref<10112x128xf32, #tpu.memory_space<vmem_shared>>) offsets(%arg8 : memref<128xi32, #tpu.memory_space<vmem>>) semaphore(%run_scoped3A : memref<!tpu.dma_semaphore, #tpu.memory_space<semaphore_mem>>) {add = true}
        %dma_wait3A_31 = arith.constant 0 : i32
        %dma_wait3A_32 = arith.constant 0 : i32
        %dma_wait3A_33 = tpu.memref_slice %arg10[%dma_wait3A_31, %dma_wait3A_32] : memref<10112x128xf32, #tpu.memory_space<vmem_shared>> -> memref<10112x128xf32, #tpu.memory_space<vmem_shared>>
        tpu.wait_indirect_dma semaphore(%run_scoped3A : memref<!tpu.dma_semaphore, #tpu.memory_space<semaphore_mem>>) src(%arg9 : memref<128x128xf32, #tpu.memory_space<vmem>>) dst(%dma_wait3A_33 : memref<10112x128xf32, #tpu.memory_space<vmem_shared>>)
        tpu.yield
      }) : () -> ()
    }
    %scan3A_11 = arith.constant 79 : i32
    %barrier3A_12 = arith.constant 0 : index
    tpu.barrier barrier_id(%barrier3A_12)
    %mul3A_13 = arith.constant 624 : i32
    %mul3A_14 = arith.muli %arg1, %mul3A_13 : i32
    %mul3A_15 = arith.constant 624 : i32
    %mul3A_16 = arith.muli %arg1, %mul3A_15 : i32
    "tpu.region"() ({
      %run_scoped3A = tpu.sem_alloc : memref<!tpu.dma_semaphore, #tpu.memory_space<semaphore_mem>>
      %dma_start3A = arith.constant 0 : i32
      %dma_start3A_19 = tpu.memref_slice %arg6[%arg0, %mul3A_16, %dma_start3A] : memref<2x10000x128xf32, #tpu.memory_space<hbm>> -> memref<1x624x128xf32, #tpu.memory_space<hbm>>
      %dma_start3A_20 = tpu.memref_squeeze %dma_start3A_19 : memref<1x624x128xf32, #tpu.memory_space<hbm>> -> memref<624x128xf32, #tpu.memory_space<hbm>>
      %dma_start3A_21 = arith.constant 0 : i32
      %dma_start3A_22 = tpu.memref_slice %arg10[%mul3A_14, %dma_start3A_21] : memref<10112x128xf32, #tpu.memory_space<vmem_shared>> -> memref<624x128xf32, #tpu.memory_space<vmem_shared>>
      tpu.enqueue_dma source(%dma_start3A_22 : memref<624x128xf32, #tpu.memory_space<vmem_shared>>) target(%dma_start3A_20 : memref<624x128xf32, #tpu.memory_space<hbm>>) target_semaphore(%run_scoped3A : memref<!tpu.dma_semaphore, #tpu.memory_space<semaphore_mem>>)
      %dma_wait3A = arith.constant 0 : i32
      %dma_wait3A_23 = tpu.memref_slice %arg6[%arg0, %mul3A_16, %dma_wait3A] : memref<2x10000x128xf32, #tpu.memory_space<hbm>> -> memref<1x624x128xf32, #tpu.memory_space<hbm>>
      %dma_wait3A_24 = tpu.memref_squeeze %dma_wait3A_23 : memref<1x624x128xf32, #tpu.memory_space<hbm>> -> memref<624x128xf32, #tpu.memory_space<hbm>>
      %dma_wait3A_25 = arith.constant 0 : i32
      %dma_wait3A_26 = tpu.memref_slice %arg10[%mul3A_14, %dma_wait3A_25] : memref<10112x128xf32, #tpu.memory_space<vmem_shared>> -> memref<624x128xf32, #tpu.memory_space<vmem_shared>>
      tpu.wait_dma2 semaphore(%run_scoped3A : memref<!tpu.dma_semaphore, #tpu.memory_space<semaphore_mem>>) src(%dma_wait3A_26 : memref<624x128xf32, #tpu.memory_space<vmem_shared>>) dst(%dma_wait3A_24 : memref<624x128xf32, #tpu.memory_space<hbm>>)
      tpu.yield
    }) : () -> ()
    %eq3A = arith.constant 0 : i32
    %eq3A_17 = arith.cmpi eq, %arg1, %eq3A : i32
    %convert_element_type3A = arith.extui %eq3A_17 : i1 to i32
    %cond3A = arith.constant 0 : i32
    %cond3A_18 = arith.cmpi ne, %convert_element_type3A, %cond3A : i32
    scf.if %cond3A_18 {
      "tpu.region"() ({
        %run_scoped3A = tpu.sem_alloc : memref<!tpu.dma_semaphore, #tpu.memory_space<semaphore_mem>>
        %dma_start3A = arith.constant 9984 : i32
        %dma_start3A_19 = arith.constant 0 : i32
        %dma_start3A_20 = tpu.memref_slice %arg6[%arg0, %dma_start3A, %dma_start3A_19] : memref<2x10000x128xf32, #tpu.memory_space<hbm>> -> memref<1x16x128xf32, #tpu.memory_space<hbm>>
        %dma_start3A_21 = tpu.memref_squeeze %dma_start3A_20 : memref<1x16x128xf32, #tpu.memory_space<hbm>> -> memref<16x128xf32, #tpu.memory_space<hbm>>
        %dma_start3A_22 = arith.constant 9984 : i32
        %dma_start3A_23 = arith.constant 0 : i32
        %dma_start3A_24 = tpu.memref_slice %arg10[%dma_start3A_22, %dma_start3A_23] : memref<10112x128xf32, #tpu.memory_space<vmem_shared>> -> memref<16x128xf32, #tpu.memory_space<vmem_shared>>
        tpu.enqueue_dma source(%dma_start3A_24 : memref<16x128xf32, #tpu.memory_space<vmem_shared>>) target(%dma_start3A_21 : memref<16x128xf32, #tpu.memory_space<hbm>>) target_semaphore(%run_scoped3A : memref<!tpu.dma_semaphore, #tpu.memory_space<semaphore_mem>>)
        %dma_wait3A = arith.constant 9984 : i32
        %dma_wait3A_25 = arith.constant 0 : i32
        %dma_wait3A_26 = tpu.memref_slice %arg6[%arg0, %dma_wait3A, %dma_wait3A_25] : memref<2x10000x128xf32, #tpu.memory_space<hbm>> -> memref<1x16x128xf32, #tpu.memory_space<hbm>>
        %dma_wait3A_27 = tpu.memref_squeeze %dma_wait3A_26 : memref<1x16x128xf32, #tpu.memory_space<hbm>> -> memref<16x128xf32, #tpu.memory_space<hbm>>
        %dma_wait3A_28 = arith.constant 9984 : i32
        %dma_wait3A_29 = arith.constant 0 : i32
        %dma_wait3A_30 = tpu.memref_slice %arg10[%dma_wait3A_28, %dma_wait3A_29] : memref<10112x128xf32, #tpu.memory_space<vmem_shared>> -> memref<16x128xf32, #tpu.memory_space<vmem_shared>>
        tpu.wait_dma2 semaphore(%run_scoped3A : memref<!tpu.dma_semaphore, #tpu.memory_space<semaphore_mem>>) src(%dma_wait3A_30 : memref<16x128xf32, #tpu.memory_space<vmem_shared>>) dst(%dma_wait3A_27 : memref<16x128xf32, #tpu.memory_space<hbm>>)
        tpu.yield
      }) : () -> ()
    } else {
    }
    return
  }
}

#map = affine_map<(d0, d1) -> (0, 0)>
#map1 = affine_map<(d0, d1) -> (0)>
#map2 = affine_map<(d0, d1) -> (0, 0, 0)>
module attributes {stable_mosaic.version = 14 : i64} {
  func.func @k(%arg0: i32, %arg1: i32, %arg2: memref<10008x128xf32, #tpu.memory_space<hbm>>, %arg3: memref<323584xi32, #tpu.memory_space<hbm>>, %arg4: memref<323584xi32, #tpu.memory_space<hbm>>, %arg5: memref<10112x128xf32, #tpu.memory_space<hbm>>, %arg6: memref<2x10000x128xf32, #tpu.memory_space<hbm>>, %arg7: memref<128xi32, #tpu.memory_space<vmem>>, %arg8: memref<128xi32, #tpu.memory_space<vmem>>, %arg9: memref<128x128xf32, #tpu.memory_space<vmem>>, %arg10: memref<10112x128xf32, #tpu.memory_space<vmem_shared>>, %arg11: memref<!tpu.dma_semaphore, #tpu.memory_space<semaphore_mem>>) attributes {dimension_semantics = [#tpu.dimension_semantics<core_parallel>, #tpu.dimension_semantics<subcore_parallel>], iteration_bounds = array<i64: 2, 16>, scalar_prefetch = 0 : i64, scratch_operands = 5 : i64, tpu.core_type = #tpu.core_type<sc_vector_subcore>, window_params = [{transform_indices = #map}, {transform_indices = #map1}, {transform_indices = #map1}, {transform_indices = #map}, {transform_indices = #map2}]} {
    %mul3A = arith.constant 16 : i32
    %mul3A_0 = arith.muli %arg0, %mul3A : i32
    %add3A = arith.addi %mul3A_0, %arg1 : i32
    %mul3A_1 = arith.constant 632 : i32
    %mul3A_2 = arith.muli %arg1, %mul3A_1 : i32
    %mul3A_3 = arith.constant 632 : i32
    %mul3A_4 = arith.muli %arg1, %mul3A_3 : i32
    "tpu.region"() ({
      %run_scoped3A = tpu.sem_alloc : memref<!tpu.dma_semaphore, #tpu.memory_space<semaphore_mem>>
      %dma_start3A = arith.constant 0 : i32
      %dma_start3A_19 = tpu.memref_slice %arg10[%mul3A_4, %dma_start3A] : memref<10112x128xf32, #tpu.memory_space<vmem_shared>> -> memref<632x128xf32, #tpu.memory_space<vmem_shared>>
      %dma_start3A_20 = arith.constant 0 : i32
      %dma_start3A_21 = tpu.memref_slice %arg5[%mul3A_2, %dma_start3A_20] : memref<10112x128xf32, #tpu.memory_space<hbm>> -> memref<632x128xf32, #tpu.memory_space<hbm>>
      tpu.enqueue_dma source(%dma_start3A_21 : memref<632x128xf32, #tpu.memory_space<hbm>>) target(%dma_start3A_19 : memref<632x128xf32, #tpu.memory_space<vmem_shared>>) target_semaphore(%run_scoped3A : memref<!tpu.dma_semaphore, #tpu.memory_space<semaphore_mem>>)
      %dma_wait3A = arith.constant 0 : i32
      %dma_wait3A_22 = tpu.memref_slice %arg10[%mul3A_4, %dma_wait3A] : memref<10112x128xf32, #tpu.memory_space<vmem_shared>> -> memref<632x128xf32, #tpu.memory_space<vmem_shared>>
      %dma_wait3A_23 = arith.constant 0 : i32
      %dma_wait3A_24 = tpu.memref_slice %arg5[%mul3A_2, %dma_wait3A_23] : memref<10112x128xf32, #tpu.memory_space<hbm>> -> memref<632x128xf32, #tpu.memory_space<hbm>>
      tpu.wait_dma2 semaphore(%run_scoped3A : memref<!tpu.dma_semaphore, #tpu.memory_space<semaphore_mem>>) src(%dma_wait3A_24 : memref<632x128xf32, #tpu.memory_space<hbm>>) dst(%dma_wait3A_22 : memref<632x128xf32, #tpu.memory_space<vmem_shared>>)
      tpu.yield
    }) : () -> ()
    %mul3A_5 = arith.constant 10112 : i32
    %mul3A_6 = arith.muli %add3A, %mul3A_5 : i32
    %multiple_of3A = tpu.assume_multiple %mul3A_6, 128 : i32
    %barrier3A = arith.constant 0 : index
    tpu.barrier barrier_id(%barrier3A)
    %scan3A = arith.constant 0 : i32
    %scan3A_7 = arith.constant 0 : i32
    %scan3A_8 = arith.constant 79 : i32
    %scan3A_9 = arith.addi %scan3A_7, %scan3A_8 : i32
    %scan3A_10 = arith.constant 1 : i32
    scf.for %scan3A_19 = %scan3A_7 to %scan3A_9 step %scan3A_10  : i32 {
      %mul3A_20 = arith.constant 128 : i32
      %mul3A_21 = arith.muli %scan3A_19, %mul3A_20 : i32
      %add3A_22 = arith.addi %multiple_of3A, %mul3A_21 : i32
      %multiple_of3A_23 = tpu.assume_multiple %add3A_22, 128 : i32
      "tpu.region"() ({
        %run_scoped3A = tpu.sem_alloc : memref<!tpu.dma_semaphore, #tpu.memory_space<semaphore_mem>>
        %dma_start3A_28 = tpu.memref_slice %arg3[%multiple_of3A_23] : memref<323584xi32, #tpu.memory_space<hbm>> -> memref<128xi32, #tpu.memory_space<hbm>>
        %dma_start3A_29 = tpu.memref_slice %arg3[%multiple_of3A_23] : memref<323584xi32, #tpu.memory_space<hbm>> -> memref<128xi32, #tpu.memory_space<hbm>>
        tpu.enqueue_dma source(%dma_start3A_29 : memref<128xi32, #tpu.memory_space<hbm>>) target(%arg7 : memref<128xi32, #tpu.memory_space<vmem>>) target_semaphore(%run_scoped3A : memref<!tpu.dma_semaphore, #tpu.memory_space<semaphore_mem>>)
        %dma_wait3A_30 = tpu.memref_slice %arg3[%multiple_of3A_23] : memref<323584xi32, #tpu.memory_space<hbm>> -> memref<128xi32, #tpu.memory_space<hbm>>
        %dma_wait3A_31 = tpu.memref_slice %arg3[%multiple_of3A_23] : memref<323584xi32, #tpu.memory_space<hbm>> -> memref<128xi32, #tpu.memory_space<hbm>>
        tpu.wait_dma2 semaphore(%run_scoped3A : memref<!tpu.dma_semaphore, #tpu.memory_space<semaphore_mem>>) src(%dma_wait3A_31 : memref<128xi32, #tpu.memory_space<hbm>>) dst(%arg7 : memref<128xi32, #tpu.memory_space<vmem>>)
        tpu.yield
      }) : () -> ()
      "tpu.region"() ({
        %run_scoped3A = tpu.sem_alloc : memref<!tpu.dma_semaphore, #tpu.memory_space<semaphore_mem>>
        %dma_start3A_28 = tpu.memref_slice %arg4[%multiple_of3A_23] : memref<323584xi32, #tpu.memory_space<hbm>> -> memref<128xi32, #tpu.memory_space<hbm>>
        %dma_start3A_29 = tpu.memref_slice %arg4[%multiple_of3A_23] : memref<323584xi32, #tpu.memory_space<hbm>> -> memref<128xi32, #tpu.memory_space<hbm>>
        tpu.enqueue_dma source(%dma_start3A_29 : memref<128xi32, #tpu.memory_space<hbm>>) target(%arg8 : memref<128xi32, #tpu.memory_space<vmem>>) target_semaphore(%run_scoped3A : memref<!tpu.dma_semaphore, #tpu.memory_space<semaphore_mem>>)
        %dma_wait3A_30 = tpu.memref_slice %arg4[%multiple_of3A_23] : memref<323584xi32, #tpu.memory_space<hbm>> -> memref<128xi32, #tpu.memory_space<hbm>>
        %dma_wait3A_31 = tpu.memref_slice %arg4[%multiple_of3A_23] : memref<323584xi32, #tpu.memory_space<hbm>> -> memref<128xi32, #tpu.memory_space<hbm>>
        tpu.wait_dma2 semaphore(%run_scoped3A : memref<!tpu.dma_semaphore, #tpu.memory_space<semaphore_mem>>) src(%dma_wait3A_31 : memref<128xi32, #tpu.memory_space<hbm>>) dst(%arg8 : memref<128xi32, #tpu.memory_space<vmem>>)
        tpu.yield
      }) : () -> ()
      %dma_start3A = arith.constant 0 : i32
      %dma_start3A_24 = arith.constant 0 : i32
      %dma_start3A_25 = tpu.memref_slice %arg2[%dma_start3A, %dma_start3A_24] : memref<10008x128xf32, #tpu.memory_space<hbm>> -> memref<10008x128xf32, #tpu.memory_space<hbm>>
      tpu.enqueue_indirect_dma source(%dma_start3A_25 : memref<10008x128xf32, #tpu.memory_space<hbm>>) target(%arg9 : memref<128x128xf32, #tpu.memory_space<vmem>>) offsets(%arg7 : memref<128xi32, #tpu.memory_space<vmem>>) semaphore(%arg11 : memref<!tpu.dma_semaphore, #tpu.memory_space<semaphore_mem>>)
      %dma_wait3A = arith.constant 0 : i32
      %dma_wait3A_26 = arith.constant 0 : i32
      %dma_wait3A_27 = tpu.memref_slice %arg2[%dma_wait3A, %dma_wait3A_26] : memref<10008x128xf32, #tpu.memory_space<hbm>> -> memref<10008x128xf32, #tpu.memory_space<hbm>>
      tpu.wait_indirect_dma semaphore(%arg11 : memref<!tpu.dma_semaphore, #tpu.memory_space<semaphore_mem>>) src(%dma_wait3A_27 : memref<10008x128xf32, #tpu.memory_space<hbm>>) dst(%arg9 : memref<128x128xf32, #tpu.memory_space<vmem>>)
      "tpu.region"() ({
        %run_scoped3A = tpu.sem_alloc : memref<!tpu.dma_semaphore, #tpu.memory_space<semaphore_mem>>
        %dma_start3A_28 = arith.constant 0 : i32
        %dma_start3A_29 = arith.constant 0 : i32
        %dma_start3A_30 = tpu.memref_slice %arg10[%dma_start3A_28, %dma_start3A_29] : memref<10112x128xf32, #tpu.memory_space<vmem_shared>> -> memref<10112x128xf32, #tpu.memory_space<vmem_shared>>
        tpu.enqueue_indirect_dma source(%arg9 : memref<128x128xf32, #tpu.memory_space<vmem>>) target(%dma_start3A_30 : memref<10112x128xf32, #tpu.memory_space<vmem_shared>>) offsets(%arg8 : memref<128xi32, #tpu.memory_space<vmem>>) semaphore(%run_scoped3A : memref<!tpu.dma_semaphore, #tpu.memory_space<semaphore_mem>>) {add = true}
        %dma_wait3A_31 = arith.constant 0 : i32
        %dma_wait3A_32 = arith.constant 0 : i32
        %dma_wait3A_33 = tpu.memref_slice %arg10[%dma_wait3A_31, %dma_wait3A_32] : memref<10112x128xf32, #tpu.memory_space<vmem_shared>> -> memref<10112x128xf32, #tpu.memory_space<vmem_shared>>
        tpu.wait_indirect_dma semaphore(%run_scoped3A : memref<!tpu.dma_semaphore, #tpu.memory_space<semaphore_mem>>) src(%arg9 : memref<128x128xf32, #tpu.memory_space<vmem>>) dst(%dma_wait3A_33 : memref<10112x128xf32, #tpu.memory_space<vmem_shared>>)
        tpu.yield
      }) : () -> ()
    }
    %scan3A_11 = arith.constant 79 : i32
    %barrier3A_12 = arith.constant 0 : index
    tpu.barrier barrier_id(%barrier3A_12)
    %mul3A_13 = arith.constant 624 : i32
    %mul3A_14 = arith.muli %arg1, %mul3A_13 : i32
    %mul3A_15 = arith.constant 624 : i32
    %mul3A_16 = arith.muli %arg1, %mul3A_15 : i32
    "tpu.region"() ({
      %run_scoped3A = tpu.sem_alloc : memref<!tpu.dma_semaphore, #tpu.memory_space<semaphore_mem>>
      %dma_start3A = arith.constant 0 : i32
      %dma_start3A_19 = tpu.memref_slice %arg6[%arg0, %mul3A_16, %dma_start3A] : memref<2x10000x128xf32, #tpu.memory_space<hbm>> -> memref<1x624x128xf32, #tpu.memory_space<hbm>>
      %dma_start3A_20 = tpu.memref_squeeze %dma_start3A_19 : memref<1x624x128xf32, #tpu.memory_space<hbm>> -> memref<624x128xf32, #tpu.memory_space<hbm>>
      %dma_start3A_21 = arith.constant 0 : i32
      %dma_start3A_22 = tpu.memref_slice %arg10[%mul3A_14, %dma_start3A_21] : memref<10112x128xf32, #tpu.memory_space<vmem_shared>> -> memref<624x128xf32, #tpu.memory_space<vmem_shared>>
      tpu.enqueue_dma source(%dma_start3A_22 : memref<624x128xf32, #tpu.memory_space<vmem_shared>>) target(%dma_start3A_20 : memref<624x128xf32, #tpu.memory_space<hbm>>) target_semaphore(%run_scoped3A : memref<!tpu.dma_semaphore, #tpu.memory_space<semaphore_mem>>)
      %dma_wait3A = arith.constant 0 : i32
      %dma_wait3A_23 = tpu.memref_slice %arg6[%arg0, %mul3A_16, %dma_wait3A] : memref<2x10000x128xf32, #tpu.memory_space<hbm>> -> memref<1x624x128xf32, #tpu.memory_space<hbm>>
      %dma_wait3A_24 = tpu.memref_squeeze %dma_wait3A_23 : memref<1x624x128xf32, #tpu.memory_space<hbm>> -> memref<624x128xf32, #tpu.memory_space<hbm>>
      %dma_wait3A_25 = arith.constant 0 : i32
      %dma_wait3A_26 = tpu.memref_slice %arg10[%mul3A_14, %dma_wait3A_25] : memref<10112x128xf32, #tpu.memory_space<vmem_shared>> -> memref<624x128xf32, #tpu.memory_space<vmem_shared>>
      tpu.wait_dma2 semaphore(%run_scoped3A : memref<!tpu.dma_semaphore, #tpu.memory_space<semaphore_mem>>) src(%dma_wait3A_26 : memref<624x128xf32, #tpu.memory_space<vmem_shared>>) dst(%dma_wait3A_24 : memref<624x128xf32, #tpu.memory_space<hbm>>)
      tpu.yield
    }) : () -> ()
    %eq3A = arith.constant 0 : i32
    %eq3A_17 = arith.cmpi eq, %arg1, %eq3A : i32
    %convert_element_type3A = arith.extui %eq3A_17 : i1 to i32
    %cond3A = arith.constant 0 : i32
    %cond3A_18 = arith.cmpi ne, %convert_element_type3A, %cond3A : i32
    scf.if %cond3A_18 {
      "tpu.region"() ({
        %run_scoped3A = tpu.sem_alloc : memref<!tpu.dma_semaphore, #tpu.memory_space<semaphore_mem>>
        %dma_start3A = arith.constant 9984 : i32
        %dma_start3A_19 = arith.constant 0 : i32
        %dma_start3A_20 = tpu.memref_slice %arg6[%arg0, %dma_start3A, %dma_start3A_19] : memref<2x10000x128xf32, #tpu.memory_space<hbm>> -> memref<1x16x128xf32, #tpu.memory_space<hbm>>
        %dma_start3A_21 = tpu.memref_squeeze %dma_start3A_20 : memref<1x16x128xf32, #tpu.memory_space<hbm>> -> memref<16x128xf32, #tpu.memory_space<hbm>>
        %dma_start3A_22 = arith.constant 9984 : i32
        %dma_start3A_23 = arith.constant 0 : i32
        %dma_start3A_24 = tpu.memref_slice %arg10[%dma_start3A_22, %dma_start3A_23] : memref<10112x128xf32, #tpu.memory_space<vmem_shared>> -> memref<16x128xf32, #tpu.memory_space<vmem_shared>>
        tpu.enqueue_dma source(%dma_start3A_24 : memref<16x128xf32, #tpu.memory_space<vmem_shared>>) target(%dma_start3A_21 : memref<16x128xf32, #tpu.memory_space<hbm>>) target_semaphore(%run_scoped3A : memref<!tpu.dma_semaphore, #tpu.memory_space<semaphore_mem>>)
        %dma_wait3A = arith.constant 9984 : i32
        %dma_wait3A_25 = arith.constant 0 : i32
        %dma_wait3A_26 = tpu.memref_slice %arg6[%arg0, %dma_wait3A, %dma_wait3A_25] : memref<2x10000x128xf32, #tpu.memory_space<hbm>> -> memref<1x16x128xf32, #tpu.memory_space<hbm>>
        %dma_wait3A_27 = tpu.memref_squeeze %dma_wait3A_26 : memref<1x16x128xf32, #tpu.memory_space<hbm>> -> memref<16x128xf32, #tpu.memory_space<hbm>>
        %dma_wait3A_28 = arith.constant 9984 : i32
        %dma_wait3A_29 = arith.constant 0 : i32
        %dma_wait3A_30 = tpu.memref_slice %arg10[%dma_wait3A_28, %dma_wait3A_29] : memref<10112x128xf32, #tpu.memory_space<vmem_shared>> -> memref<16x128xf32, #tpu.memory_space<vmem_shared>>
        tpu.wait_dma2 semaphore(%run_scoped3A : memref<!tpu.dma_semaphore, #tpu.memory_space<semaphore_mem>>) src(%dma_wait3A_30 : memref<16x128xf32, #tpu.memory_space<vmem_shared>>) dst(%dma_wait3A_27 : memref<16x128xf32, #tpu.memory_space<hbm>>)
        tpu.yield
      }) : () -> ()
    } else {
    }
    return
  }
}

#map = affine_map<(d0, d1) -> (0, 0)>
#map1 = affine_map<(d0, d1) -> (0)>
#map2 = affine_map<(d0, d1) -> (0, 0, 0)>
module attributes {stable_mosaic.version = 14 : i64} {
  func.func @k(%arg0: i32, %arg1: i32, %arg2: memref<10008x128xf32, #tpu.memory_space<hbm>>, %arg3: memref<323584xi32, #tpu.memory_space<hbm>>, %arg4: memref<323584xi32, #tpu.memory_space<hbm>>, %arg5: memref<10112x128xf32, #tpu.memory_space<hbm>>, %arg6: memref<2x10000x128xf32, #tpu.memory_space<hbm>>, %arg7: memref<128xi32, #tpu.memory_space<vmem>>, %arg8: memref<128xi32, #tpu.memory_space<vmem>>, %arg9: memref<128x128xf32, #tpu.memory_space<vmem>>, %arg10: memref<10112x128xf32, #tpu.memory_space<vmem_shared>>, %arg11: memref<!tpu.dma_semaphore, #tpu.memory_space<semaphore_mem>>) attributes {dimension_semantics = [#tpu.dimension_semantics<core_parallel>, #tpu.dimension_semantics<subcore_parallel>], iteration_bounds = array<i64: 2, 16>, scalar_prefetch = 0 : i64, scratch_operands = 5 : i64, tpu.core_type = #tpu.core_type<sc_vector_subcore>, window_params = [{transform_indices = #map}, {transform_indices = #map1}, {transform_indices = #map1}, {transform_indices = #map}, {transform_indices = #map2}]} {
    %mul3A = arith.constant 16 : i32
    %mul3A_0 = arith.muli %arg0, %mul3A : i32
    %add3A = arith.addi %mul3A_0, %arg1 : i32
    %mul3A_1 = arith.constant 632 : i32
    %mul3A_2 = arith.muli %arg1, %mul3A_1 : i32
    %mul3A_3 = arith.constant 632 : i32
    %mul3A_4 = arith.muli %arg1, %mul3A_3 : i32
    "tpu.region"() ({
      %run_scoped3A = tpu.sem_alloc : memref<!tpu.dma_semaphore, #tpu.memory_space<semaphore_mem>>
      %dma_start3A = arith.constant 0 : i32
      %dma_start3A_19 = tpu.memref_slice %arg10[%mul3A_4, %dma_start3A] : memref<10112x128xf32, #tpu.memory_space<vmem_shared>> -> memref<632x128xf32, #tpu.memory_space<vmem_shared>>
      %dma_start3A_20 = arith.constant 0 : i32
      %dma_start3A_21 = tpu.memref_slice %arg5[%mul3A_2, %dma_start3A_20] : memref<10112x128xf32, #tpu.memory_space<hbm>> -> memref<632x128xf32, #tpu.memory_space<hbm>>
      tpu.enqueue_dma source(%dma_start3A_21 : memref<632x128xf32, #tpu.memory_space<hbm>>) target(%dma_start3A_19 : memref<632x128xf32, #tpu.memory_space<vmem_shared>>) target_semaphore(%run_scoped3A : memref<!tpu.dma_semaphore, #tpu.memory_space<semaphore_mem>>)
      %dma_wait3A = arith.constant 0 : i32
      %dma_wait3A_22 = tpu.memref_slice %arg10[%mul3A_4, %dma_wait3A] : memref<10112x128xf32, #tpu.memory_space<vmem_shared>> -> memref<632x128xf32, #tpu.memory_space<vmem_shared>>
      %dma_wait3A_23 = arith.constant 0 : i32
      %dma_wait3A_24 = tpu.memref_slice %arg5[%mul3A_2, %dma_wait3A_23] : memref<10112x128xf32, #tpu.memory_space<hbm>> -> memref<632x128xf32, #tpu.memory_space<hbm>>
      tpu.wait_dma2 semaphore(%run_scoped3A : memref<!tpu.dma_semaphore, #tpu.memory_space<semaphore_mem>>) src(%dma_wait3A_24 : memref<632x128xf32, #tpu.memory_space<hbm>>) dst(%dma_wait3A_22 : memref<632x128xf32, #tpu.memory_space<vmem_shared>>)
      tpu.yield
    }) : () -> ()
    %mul3A_5 = arith.constant 10112 : i32
    %mul3A_6 = arith.muli %add3A, %mul3A_5 : i32
    %multiple_of3A = tpu.assume_multiple %mul3A_6, 128 : i32
    %barrier3A = arith.constant 0 : index
    tpu.barrier barrier_id(%barrier3A)
    %scan3A = arith.constant 0 : i32
    %scan3A_7 = arith.constant 0 : i32
    %scan3A_8 = arith.constant 79 : i32
    %scan3A_9 = arith.addi %scan3A_7, %scan3A_8 : i32
    %scan3A_10 = arith.constant 1 : i32
    scf.for %scan3A_19 = %scan3A_7 to %scan3A_9 step %scan3A_10  : i32 {
      %mul3A_20 = arith.constant 128 : i32
      %mul3A_21 = arith.muli %scan3A_19, %mul3A_20 : i32
      %add3A_22 = arith.addi %multiple_of3A, %mul3A_21 : i32
      %multiple_of3A_23 = tpu.assume_multiple %add3A_22, 128 : i32
      "tpu.region"() ({
        %run_scoped3A = tpu.sem_alloc : memref<!tpu.dma_semaphore, #tpu.memory_space<semaphore_mem>>
        %dma_start3A_28 = tpu.memref_slice %arg3[%multiple_of3A_23] : memref<323584xi32, #tpu.memory_space<hbm>> -> memref<128xi32, #tpu.memory_space<hbm>>
        %dma_start3A_29 = tpu.memref_slice %arg3[%multiple_of3A_23] : memref<323584xi32, #tpu.memory_space<hbm>> -> memref<128xi32, #tpu.memory_space<hbm>>
        tpu.enqueue_dma source(%dma_start3A_29 : memref<128xi32, #tpu.memory_space<hbm>>) target(%arg7 : memref<128xi32, #tpu.memory_space<vmem>>) target_semaphore(%run_scoped3A : memref<!tpu.dma_semaphore, #tpu.memory_space<semaphore_mem>>)
        %dma_wait3A_30 = tpu.memref_slice %arg3[%multiple_of3A_23] : memref<323584xi32, #tpu.memory_space<hbm>> -> memref<128xi32, #tpu.memory_space<hbm>>
        %dma_wait3A_31 = tpu.memref_slice %arg3[%multiple_of3A_23] : memref<323584xi32, #tpu.memory_space<hbm>> -> memref<128xi32, #tpu.memory_space<hbm>>
        tpu.wait_dma2 semaphore(%run_scoped3A : memref<!tpu.dma_semaphore, #tpu.memory_space<semaphore_mem>>) src(%dma_wait3A_31 : memref<128xi32, #tpu.memory_space<hbm>>) dst(%arg7 : memref<128xi32, #tpu.memory_space<vmem>>)
        tpu.yield
      }) : () -> ()
      "tpu.region"() ({
        %run_scoped3A = tpu.sem_alloc : memref<!tpu.dma_semaphore, #tpu.memory_space<semaphore_mem>>
        %dma_start3A_28 = tpu.memref_slice %arg4[%multiple_of3A_23] : memref<323584xi32, #tpu.memory_space<hbm>> -> memref<128xi32, #tpu.memory_space<hbm>>
        %dma_start3A_29 = tpu.memref_slice %arg4[%multiple_of3A_23] : memref<323584xi32, #tpu.memory_space<hbm>> -> memref<128xi32, #tpu.memory_space<hbm>>
        tpu.enqueue_dma source(%dma_start3A_29 : memref<128xi32, #tpu.memory_space<hbm>>) target(%arg8 : memref<128xi32, #tpu.memory_space<vmem>>) target_semaphore(%run_scoped3A : memref<!tpu.dma_semaphore, #tpu.memory_space<semaphore_mem>>)
        %dma_wait3A_30 = tpu.memref_slice %arg4[%multiple_of3A_23] : memref<323584xi32, #tpu.memory_space<hbm>> -> memref<128xi32, #tpu.memory_space<hbm>>
        %dma_wait3A_31 = tpu.memref_slice %arg4[%multiple_of3A_23] : memref<323584xi32, #tpu.memory_space<hbm>> -> memref<128xi32, #tpu.memory_space<hbm>>
        tpu.wait_dma2 semaphore(%run_scoped3A : memref<!tpu.dma_semaphore, #tpu.memory_space<semaphore_mem>>) src(%dma_wait3A_31 : memref<128xi32, #tpu.memory_space<hbm>>) dst(%arg8 : memref<128xi32, #tpu.memory_space<vmem>>)
        tpu.yield
      }) : () -> ()
      %dma_start3A = arith.constant 0 : i32
      %dma_start3A_24 = arith.constant 0 : i32
      %dma_start3A_25 = tpu.memref_slice %arg2[%dma_start3A, %dma_start3A_24] : memref<10008x128xf32, #tpu.memory_space<hbm>> -> memref<10008x128xf32, #tpu.memory_space<hbm>>
      tpu.enqueue_indirect_dma source(%dma_start3A_25 : memref<10008x128xf32, #tpu.memory_space<hbm>>) target(%arg9 : memref<128x128xf32, #tpu.memory_space<vmem>>) offsets(%arg7 : memref<128xi32, #tpu.memory_space<vmem>>) semaphore(%arg11 : memref<!tpu.dma_semaphore, #tpu.memory_space<semaphore_mem>>)
      %dma_wait3A = arith.constant 0 : i32
      %dma_wait3A_26 = arith.constant 0 : i32
      %dma_wait3A_27 = tpu.memref_slice %arg2[%dma_wait3A, %dma_wait3A_26] : memref<10008x128xf32, #tpu.memory_space<hbm>> -> memref<10008x128xf32, #tpu.memory_space<hbm>>
      tpu.wait_indirect_dma semaphore(%arg11 : memref<!tpu.dma_semaphore, #tpu.memory_space<semaphore_mem>>) src(%dma_wait3A_27 : memref<10008x128xf32, #tpu.memory_space<hbm>>) dst(%arg9 : memref<128x128xf32, #tpu.memory_space<vmem>>)
      "tpu.region"() ({
        %run_scoped3A = tpu.sem_alloc : memref<!tpu.dma_semaphore, #tpu.memory_space<semaphore_mem>>
        %dma_start3A_28 = arith.constant 0 : i32
        %dma_start3A_29 = arith.constant 0 : i32
        %dma_start3A_30 = tpu.memref_slice %arg10[%dma_start3A_28, %dma_start3A_29] : memref<10112x128xf32, #tpu.memory_space<vmem_shared>> -> memref<10112x128xf32, #tpu.memory_space<vmem_shared>>
        tpu.enqueue_indirect_dma source(%arg9 : memref<128x128xf32, #tpu.memory_space<vmem>>) target(%dma_start3A_30 : memref<10112x128xf32, #tpu.memory_space<vmem_shared>>) offsets(%arg8 : memref<128xi32, #tpu.memory_space<vmem>>) semaphore(%run_scoped3A : memref<!tpu.dma_semaphore, #tpu.memory_space<semaphore_mem>>) {add = true}
        %dma_wait3A_31 = arith.constant 0 : i32
        %dma_wait3A_32 = arith.constant 0 : i32
        %dma_wait3A_33 = tpu.memref_slice %arg10[%dma_wait3A_31, %dma_wait3A_32] : memref<10112x128xf32, #tpu.memory_space<vmem_shared>> -> memref<10112x128xf32, #tpu.memory_space<vmem_shared>>
        tpu.wait_indirect_dma semaphore(%run_scoped3A : memref<!tpu.dma_semaphore, #tpu.memory_space<semaphore_mem>>) src(%arg9 : memref<128x128xf32, #tpu.memory_space<vmem>>) dst(%dma_wait3A_33 : memref<10112x128xf32, #tpu.memory_space<vmem_shared>>)
        tpu.yield
      }) : () -> ()
    }
    %scan3A_11 = arith.constant 79 : i32
    %barrier3A_12 = arith.constant 0 : index
    tpu.barrier barrier_id(%barrier3A_12)
    %mul3A_13 = arith.constant 624 : i32
    %mul3A_14 = arith.muli %arg1, %mul3A_13 : i32
    %mul3A_15 = arith.constant 624 : i32
    %mul3A_16 = arith.muli %arg1, %mul3A_15 : i32
    "tpu.region"() ({
      %run_scoped3A = tpu.sem_alloc : memref<!tpu.dma_semaphore, #tpu.memory_space<semaphore_mem>>
      %dma_start3A = arith.constant 0 : i32
      %dma_start3A_19 = tpu.memref_slice %arg6[%arg0, %mul3A_16, %dma_start3A] : memref<2x10000x128xf32, #tpu.memory_space<hbm>> -> memref<1x624x128xf32, #tpu.memory_space<hbm>>
      %dma_start3A_20 = tpu.memref_squeeze %dma_start3A_19 : memref<1x624x128xf32, #tpu.memory_space<hbm>> -> memref<624x128xf32, #tpu.memory_space<hbm>>
      %dma_start3A_21 = arith.constant 0 : i32
      %dma_start3A_22 = tpu.memref_slice %arg10[%mul3A_14, %dma_start3A_21] : memref<10112x128xf32, #tpu.memory_space<vmem_shared>> -> memref<624x128xf32, #tpu.memory_space<vmem_shared>>
      tpu.enqueue_dma source(%dma_start3A_22 : memref<624x128xf32, #tpu.memory_space<vmem_shared>>) target(%dma_start3A_20 : memref<624x128xf32, #tpu.memory_space<hbm>>) target_semaphore(%run_scoped3A : memref<!tpu.dma_semaphore, #tpu.memory_space<semaphore_mem>>)
      %dma_wait3A = arith.constant 0 : i32
      %dma_wait3A_23 = tpu.memref_slice %arg6[%arg0, %mul3A_16, %dma_wait3A] : memref<2x10000x128xf32, #tpu.memory_space<hbm>> -> memref<1x624x128xf32, #tpu.memory_space<hbm>>
      %dma_wait3A_24 = tpu.memref_squeeze %dma_wait3A_23 : memref<1x624x128xf32, #tpu.memory_space<hbm>> -> memref<624x128xf32, #tpu.memory_space<hbm>>
      %dma_wait3A_25 = arith.constant 0 : i32
      %dma_wait3A_26 = tpu.memref_slice %arg10[%mul3A_14, %dma_wait3A_25] : memref<10112x128xf32, #tpu.memory_space<vmem_shared>> -> memref<624x128xf32, #tpu.memory_space<vmem_shared>>
      tpu.wait_dma2 semaphore(%run_scoped3A : memref<!tpu.dma_semaphore, #tpu.memory_space<semaphore_mem>>) src(%dma_wait3A_26 : memref<624x128xf32, #tpu.memory_space<vmem_shared>>) dst(%dma_wait3A_24 : memref<624x128xf32, #tpu.memory_space<hbm>>)
      tpu.yield
    }) : () -> ()
    %eq3A = arith.constant 0 : i32
    %eq3A_17 = arith.cmpi eq, %arg1, %eq3A : i32
    %convert_element_type3A = arith.extui %eq3A_17 : i1 to i32
    %cond3A = arith.constant 0 : i32
    %cond3A_18 = arith.cmpi ne, %convert_element_type3A, %cond3A : i32
    scf.if %cond3A_18 {
      "tpu.region"() ({
        %run_scoped3A = tpu.sem_alloc : memref<!tpu.dma_semaphore, #tpu.memory_space<semaphore_mem>>
        %dma_start3A = arith.constant 9984 : i32
        %dma_start3A_19 = arith.constant 0 : i32
        %dma_start3A_20 = tpu.memref_slice %arg6[%arg0, %dma_start3A, %dma_start3A_19] : memref<2x10000x128xf32, #tpu.memory_space<hbm>> -> memref<1x16x128xf32, #tpu.memory_space<hbm>>
        %dma_start3A_21 = tpu.memref_squeeze %dma_start3A_20 : memref<1x16x128xf32, #tpu.memory_space<hbm>> -> memref<16x128xf32, #tpu.memory_space<hbm>>
        %dma_start3A_22 = arith.constant 9984 : i32
        %dma_start3A_23 = arith.constant 0 : i32
        %dma_start3A_24 = tpu.memref_slice %arg10[%dma_start3A_22, %dma_start3A_23] : memref<10112x128xf32, #tpu.memory_space<vmem_shared>> -> memref<16x128xf32, #tpu.memory_space<vmem_shared>>
        tpu.enqueue_dma source(%dma_start3A_24 : memref<16x128xf32, #tpu.memory_space<vmem_shared>>) target(%dma_start3A_21 : memref<16x128xf32, #tpu.memory_space<hbm>>) target_semaphore(%run_scoped3A : memref<!tpu.dma_semaphore, #tpu.memory_space<semaphore_mem>>)
        %dma_wait3A = arith.constant 9984 : i32
        %dma_wait3A_25 = arith.constant 0 : i32
        %dma_wait3A_26 = tpu.memref_slice %arg6[%arg0, %dma_wait3A, %dma_wait3A_25] : memref<2x10000x128xf32, #tpu.memory_space<hbm>> -> memref<1x16x128xf32, #tpu.memory_space<hbm>>
        %dma_wait3A_27 = tpu.memref_squeeze %dma_wait3A_26 : memref<1x16x128xf32, #tpu.memory_space<hbm>> -> memref<16x128xf32, #tpu.memory_space<hbm>>
        %dma_wait3A_28 = arith.constant 9984 : i32
        %dma_wait3A_29 = arith.constant 0 : i32
        %dma_wait3A_30 = tpu.memref_slice %arg10[%dma_wait3A_28, %dma_wait3A_29] : memref<10112x128xf32, #tpu.memory_space<vmem_shared>> -> memref<16x128xf32, #tpu.memory_space<vmem_shared>>
        tpu.wait_dma2 semaphore(%run_scoped3A : memref<!tpu.dma_semaphore, #tpu.memory_space<semaphore_mem>>) src(%dma_wait3A_30 : memref<16x128xf32, #tpu.memory_space<vmem_shared>>) dst(%dma_wait3A_27 : memref<16x128xf32, #tpu.memory_space<hbm>>)
        tpu.yield
      }) : () -> ()
    } else {
    }
    return
  }
}

#map = affine_map<(d0, d1) -> (0)>
#map1 = affine_map<(d0, d1) -> (0, 0)>
#map2 = affine_map<(d0, d1) -> (0, 0, 0)>
module attributes {stable_mosaic.version = 14 : i64} {
  func.func @k(%arg0: i32, %arg1: i32, %arg2: memref<323584xi32, #tpu.memory_space<hbm>>, %arg3: memref<128x128xf32, #tpu.memory_space<hbm>>, %arg4: memref<10112x128xf32, #tpu.memory_space<hbm>>, %arg5: memref<2x10000x128xf32, #tpu.memory_space<hbm>>, %arg6: memref<128xi32, #tpu.memory_space<vmem>>, %arg7: memref<128x128xf32, #tpu.memory_space<vmem>>, %arg8: memref<10112x128xf32, #tpu.memory_space<vmem_shared>>, %arg9: memref<!tpu.dma_semaphore, #tpu.memory_space<semaphore_mem>>) attributes {dimension_semantics = [#tpu.dimension_semantics<core_parallel>, #tpu.dimension_semantics<subcore_parallel>], iteration_bounds = array<i64: 2, 16>, scalar_prefetch = 0 : i64, scratch_operands = 4 : i64, tpu.core_type = #tpu.core_type<sc_vector_subcore>, window_params = [{transform_indices = #map}, {transform_indices = #map1}, {transform_indices = #map1}, {transform_indices = #map2}]} {
    %mul3A = arith.constant 16 : i32
    %mul3A_0 = arith.muli %arg0, %mul3A : i32
    %add3A = arith.addi %mul3A_0, %arg1 : i32
    %mul3A_1 = arith.constant 632 : i32
    %mul3A_2 = arith.muli %arg1, %mul3A_1 : i32
    %mul3A_3 = arith.constant 632 : i32
    %mul3A_4 = arith.muli %arg1, %mul3A_3 : i32
    "tpu.region"() ({
      %run_scoped3A = tpu.sem_alloc : memref<!tpu.dma_semaphore, #tpu.memory_space<semaphore_mem>>
      %dma_start3A = arith.constant 0 : i32
      %dma_start3A_19 = tpu.memref_slice %arg8[%mul3A_4, %dma_start3A] : memref<10112x128xf32, #tpu.memory_space<vmem_shared>> -> memref<632x128xf32, #tpu.memory_space<vmem_shared>>
      %dma_start3A_20 = arith.constant 0 : i32
      %dma_start3A_21 = tpu.memref_slice %arg4[%mul3A_2, %dma_start3A_20] : memref<10112x128xf32, #tpu.memory_space<hbm>> -> memref<632x128xf32, #tpu.memory_space<hbm>>
      tpu.enqueue_dma source(%dma_start3A_21 : memref<632x128xf32, #tpu.memory_space<hbm>>) target(%dma_start3A_19 : memref<632x128xf32, #tpu.memory_space<vmem_shared>>) target_semaphore(%run_scoped3A : memref<!tpu.dma_semaphore, #tpu.memory_space<semaphore_mem>>)
      %dma_wait3A = arith.constant 0 : i32
      %dma_wait3A_22 = tpu.memref_slice %arg8[%mul3A_4, %dma_wait3A] : memref<10112x128xf32, #tpu.memory_space<vmem_shared>> -> memref<632x128xf32, #tpu.memory_space<vmem_shared>>
      %dma_wait3A_23 = arith.constant 0 : i32
      %dma_wait3A_24 = tpu.memref_slice %arg4[%mul3A_2, %dma_wait3A_23] : memref<10112x128xf32, #tpu.memory_space<hbm>> -> memref<632x128xf32, #tpu.memory_space<hbm>>
      tpu.wait_dma2 semaphore(%run_scoped3A : memref<!tpu.dma_semaphore, #tpu.memory_space<semaphore_mem>>) src(%dma_wait3A_24 : memref<632x128xf32, #tpu.memory_space<hbm>>) dst(%dma_wait3A_22 : memref<632x128xf32, #tpu.memory_space<vmem_shared>>)
      tpu.yield
    }) : () -> ()
    "tpu.region"() ({
      %run_scoped3A = tpu.sem_alloc : memref<!tpu.dma_semaphore, #tpu.memory_space<semaphore_mem>>
      tpu.enqueue_dma source(%arg3 : memref<128x128xf32, #tpu.memory_space<hbm>>) target(%arg7 : memref<128x128xf32, #tpu.memory_space<vmem>>) target_semaphore(%run_scoped3A : memref<!tpu.dma_semaphore, #tpu.memory_space<semaphore_mem>>)
      tpu.wait_dma2 semaphore(%run_scoped3A : memref<!tpu.dma_semaphore, #tpu.memory_space<semaphore_mem>>) src(%arg3 : memref<128x128xf32, #tpu.memory_space<hbm>>) dst(%arg7 : memref<128x128xf32, #tpu.memory_space<vmem>>)
      tpu.yield
    }) : () -> ()
    %mul3A_5 = arith.constant 10112 : i32
    %mul3A_6 = arith.muli %add3A, %mul3A_5 : i32
    %multiple_of3A = tpu.assume_multiple %mul3A_6, 128 : i32
    %barrier3A = arith.constant 0 : index
    tpu.barrier barrier_id(%barrier3A)
    %scan3A = arith.constant 0 : i32
    %scan3A_7 = arith.constant 0 : i32
    %scan3A_8 = arith.constant 79 : i32
    %scan3A_9 = arith.addi %scan3A_7, %scan3A_8 : i32
    %scan3A_10 = arith.constant 1 : i32
    scf.for %scan3A_19 = %scan3A_7 to %scan3A_9 step %scan3A_10  : i32 {
      %mul3A_20 = arith.constant 128 : i32
      %mul3A_21 = arith.muli %scan3A_19, %mul3A_20 : i32
      %add3A_22 = arith.addi %multiple_of3A, %mul3A_21 : i32
      %multiple_of3A_23 = tpu.assume_multiple %add3A_22, 128 : i32
      "tpu.region"() ({
        %run_scoped3A = tpu.sem_alloc : memref<!tpu.dma_semaphore, #tpu.memory_space<semaphore_mem>>
        %dma_start3A = tpu.memref_slice %arg2[%multiple_of3A_23] : memref<323584xi32, #tpu.memory_space<hbm>> -> memref<128xi32, #tpu.memory_space<hbm>>
        %dma_start3A_24 = tpu.memref_slice %arg2[%multiple_of3A_23] : memref<323584xi32, #tpu.memory_space<hbm>> -> memref<128xi32, #tpu.memory_space<hbm>>
        tpu.enqueue_dma source(%dma_start3A_24 : memref<128xi32, #tpu.memory_space<hbm>>) target(%arg6 : memref<128xi32, #tpu.memory_space<vmem>>) target_semaphore(%run_scoped3A : memref<!tpu.dma_semaphore, #tpu.memory_space<semaphore_mem>>)
        %dma_wait3A = tpu.memref_slice %arg2[%multiple_of3A_23] : memref<323584xi32, #tpu.memory_space<hbm>> -> memref<128xi32, #tpu.memory_space<hbm>>
        %dma_wait3A_25 = tpu.memref_slice %arg2[%multiple_of3A_23] : memref<323584xi32, #tpu.memory_space<hbm>> -> memref<128xi32, #tpu.memory_space<hbm>>
        tpu.wait_dma2 semaphore(%run_scoped3A : memref<!tpu.dma_semaphore, #tpu.memory_space<semaphore_mem>>) src(%dma_wait3A_25 : memref<128xi32, #tpu.memory_space<hbm>>) dst(%arg6 : memref<128xi32, #tpu.memory_space<vmem>>)
        tpu.yield
      }) : () -> ()
      "tpu.region"() ({
        %run_scoped3A = tpu.sem_alloc : memref<!tpu.dma_semaphore, #tpu.memory_space<semaphore_mem>>
        %dma_start3A = arith.constant 0 : i32
        %dma_start3A_24 = arith.constant 0 : i32
        %dma_start3A_25 = tpu.memref_slice %arg8[%dma_start3A, %dma_start3A_24] : memref<10112x128xf32, #tpu.memory_space<vmem_shared>> -> memref<10112x128xf32, #tpu.memory_space<vmem_shared>>
        tpu.enqueue_indirect_dma source(%arg7 : memref<128x128xf32, #tpu.memory_space<vmem>>) target(%dma_start3A_25 : memref<10112x128xf32, #tpu.memory_space<vmem_shared>>) offsets(%arg6 : memref<128xi32, #tpu.memory_space<vmem>>) semaphore(%run_scoped3A : memref<!tpu.dma_semaphore, #tpu.memory_space<semaphore_mem>>) {add = true}
        %dma_wait3A = arith.constant 0 : i32
        %dma_wait3A_26 = arith.constant 0 : i32
        %dma_wait3A_27 = tpu.memref_slice %arg8[%dma_wait3A, %dma_wait3A_26] : memref<10112x128xf32, #tpu.memory_space<vmem_shared>> -> memref<10112x128xf32, #tpu.memory_space<vmem_shared>>
        tpu.wait_indirect_dma semaphore(%run_scoped3A : memref<!tpu.dma_semaphore, #tpu.memory_space<semaphore_mem>>) src(%arg7 : memref<128x128xf32, #tpu.memory_space<vmem>>) dst(%dma_wait3A_27 : memref<10112x128xf32, #tpu.memory_space<vmem_shared>>)
        tpu.yield
      }) : () -> ()
    }
    %scan3A_11 = arith.constant 79 : i32
    %barrier3A_12 = arith.constant 0 : index
    tpu.barrier barrier_id(%barrier3A_12)
    %mul3A_13 = arith.constant 624 : i32
    %mul3A_14 = arith.muli %arg1, %mul3A_13 : i32
    %mul3A_15 = arith.constant 624 : i32
    %mul3A_16 = arith.muli %arg1, %mul3A_15 : i32
    "tpu.region"() ({
      %run_scoped3A = tpu.sem_alloc : memref<!tpu.dma_semaphore, #tpu.memory_space<semaphore_mem>>
      %dma_start3A = arith.constant 0 : i32
      %dma_start3A_19 = tpu.memref_slice %arg5[%arg0, %mul3A_16, %dma_start3A] : memref<2x10000x128xf32, #tpu.memory_space<hbm>> -> memref<1x624x128xf32, #tpu.memory_space<hbm>>
      %dma_start3A_20 = tpu.memref_squeeze %dma_start3A_19 : memref<1x624x128xf32, #tpu.memory_space<hbm>> -> memref<624x128xf32, #tpu.memory_space<hbm>>
      %dma_start3A_21 = arith.constant 0 : i32
      %dma_start3A_22 = tpu.memref_slice %arg8[%mul3A_14, %dma_start3A_21] : memref<10112x128xf32, #tpu.memory_space<vmem_shared>> -> memref<624x128xf32, #tpu.memory_space<vmem_shared>>
      tpu.enqueue_dma source(%dma_start3A_22 : memref<624x128xf32, #tpu.memory_space<vmem_shared>>) target(%dma_start3A_20 : memref<624x128xf32, #tpu.memory_space<hbm>>) target_semaphore(%run_scoped3A : memref<!tpu.dma_semaphore, #tpu.memory_space<semaphore_mem>>)
      %dma_wait3A = arith.constant 0 : i32
      %dma_wait3A_23 = tpu.memref_slice %arg5[%arg0, %mul3A_16, %dma_wait3A] : memref<2x10000x128xf32, #tpu.memory_space<hbm>> -> memref<1x624x128xf32, #tpu.memory_space<hbm>>
      %dma_wait3A_24 = tpu.memref_squeeze %dma_wait3A_23 : memref<1x624x128xf32, #tpu.memory_space<hbm>> -> memref<624x128xf32, #tpu.memory_space<hbm>>
      %dma_wait3A_25 = arith.constant 0 : i32
      %dma_wait3A_26 = tpu.memref_slice %arg8[%mul3A_14, %dma_wait3A_25] : memref<10112x128xf32, #tpu.memory_space<vmem_shared>> -> memref<624x128xf32, #tpu.memory_space<vmem_shared>>
      tpu.wait_dma2 semaphore(%run_scoped3A : memref<!tpu.dma_semaphore, #tpu.memory_space<semaphore_mem>>) src(%dma_wait3A_26 : memref<624x128xf32, #tpu.memory_space<vmem_shared>>) dst(%dma_wait3A_24 : memref<624x128xf32, #tpu.memory_space<hbm>>)
      tpu.yield
    }) : () -> ()
    %eq3A = arith.constant 0 : i32
    %eq3A_17 = arith.cmpi eq, %arg1, %eq3A : i32
    %convert_element_type3A = arith.extui %eq3A_17 : i1 to i32
    %cond3A = arith.constant 0 : i32
    %cond3A_18 = arith.cmpi ne, %convert_element_type3A, %cond3A : i32
    scf.if %cond3A_18 {
      "tpu.region"() ({
        %run_scoped3A = tpu.sem_alloc : memref<!tpu.dma_semaphore, #tpu.memory_space<semaphore_mem>>
        %dma_start3A = arith.constant 9984 : i32
        %dma_start3A_19 = arith.constant 0 : i32
        %dma_start3A_20 = tpu.memref_slice %arg5[%arg0, %dma_start3A, %dma_start3A_19] : memref<2x10000x128xf32, #tpu.memory_space<hbm>> -> memref<1x16x128xf32, #tpu.memory_space<hbm>>
        %dma_start3A_21 = tpu.memref_squeeze %dma_start3A_20 : memref<1x16x128xf32, #tpu.memory_space<hbm>> -> memref<16x128xf32, #tpu.memory_space<hbm>>
        %dma_start3A_22 = arith.constant 9984 : i32
        %dma_start3A_23 = arith.constant 0 : i32
        %dma_start3A_24 = tpu.memref_slice %arg8[%dma_start3A_22, %dma_start3A_23] : memref<10112x128xf32, #tpu.memory_space<vmem_shared>> -> memref<16x128xf32, #tpu.memory_space<vmem_shared>>
        tpu.enqueue_dma source(%dma_start3A_24 : memref<16x128xf32, #tpu.memory_space<vmem_shared>>) target(%dma_start3A_21 : memref<16x128xf32, #tpu.memory_space<hbm>>) target_semaphore(%run_scoped3A : memref<!tpu.dma_semaphore, #tpu.memory_space<semaphore_mem>>)
        %dma_wait3A = arith.constant 9984 : i32
        %dma_wait3A_25 = arith.constant 0 : i32
        %dma_wait3A_26 = tpu.memref_slice %arg5[%arg0, %dma_wait3A, %dma_wait3A_25] : memref<2x10000x128xf32, #tpu.memory_space<hbm>> -> memref<1x16x128xf32, #tpu.memory_space<hbm>>
        %dma_wait3A_27 = tpu.memref_squeeze %dma_wait3A_26 : memref<1x16x128xf32, #tpu.memory_space<hbm>> -> memref<16x128xf32, #tpu.memory_space<hbm>>
        %dma_wait3A_28 = arith.constant 9984 : i32
        %dma_wait3A_29 = arith.constant 0 : i32
        %dma_wait3A_30 = tpu.memref_slice %arg8[%dma_wait3A_28, %dma_wait3A_29] : memref<10112x128xf32, #tpu.memory_space<vmem_shared>> -> memref<16x128xf32, #tpu.memory_space<vmem_shared>>
        tpu.wait_dma2 semaphore(%run_scoped3A : memref<!tpu.dma_semaphore, #tpu.memory_space<semaphore_mem>>) src(%dma_wait3A_30 : memref<16x128xf32, #tpu.memory_space<vmem_shared>>) dst(%dma_wait3A_27 : memref<16x128xf32, #tpu.memory_space<hbm>>)
        tpu.yield
      }) : () -> ()
    } else {
    }
    return
  }
}

module attributes {stable_mosaic.version = 14 : i64} {
  func.func @body(%arg0: memref<10000x128xf32, #tpu.memory_space<vmem>>, %arg1: memref<128x128xf32, #tpu.memory_space<vmem>>, %arg2: memref<2x10000x128xf32, #tpu.memory_space<vmem>>, %arg3: memref<10008x128xf32, #tpu.memory_space<vmem>>) attributes {dimension_semantics = [], scalar_prefetch = 0 : i64, scratch_operands = 0 : i64, tpu.core_type = #tpu.core_type<tc>} {
    %get3A = arith.constant 0 : index
    %get3A_0 = arith.constant 0 : index
    %get3A_1 = arith.constant 0 : index
    %get3A_2 = vector.load %arg2[%get3A, %get3A_0, %get3A_1] : memref<2x10000x128xf32, #tpu.memory_space<vmem>>, vector<1x10000x128xf32>
    %get3A_3 = vector.shape_cast %get3A_2 : vector<1x10000x128xf32> to vector<10000x128xf32>
    %get3A_4 = arith.constant 1 : index
    %get3A_5 = arith.constant 0 : index
    %get3A_6 = arith.constant 0 : index
    %get3A_7 = vector.load %arg2[%get3A_4, %get3A_5, %get3A_6] : memref<2x10000x128xf32, #tpu.memory_space<vmem>>, vector<1x10000x128xf32>
    %get3A_8 = vector.shape_cast %get3A_7 : vector<1x10000x128xf32> to vector<10000x128xf32>
    %add3A = arith.addf %get3A_3, %get3A_8 : vector<10000x128xf32>
    %reduce_max3A = arith.constant dense<0xFF800000> : vector<10000xf32>
    %reduce_max3A_9 = vector.multi_reduction <maximumf>, %add3A, %reduce_max3A [1] : vector<10000x128xf32> to vector<10000xf32>
    %broadcast_in_dim3A = vector.shape_cast %reduce_max3A_9 : vector<10000xf32> to vector<10000x1xf32>
    %add3A_10 = arith.constant 1.000000e+00 : f32
    %add3A_11 = vector.broadcast %add3A_10 : f32 to vector<10000x1xf32>
    %add3A_12 = arith.addf %broadcast_in_dim3A, %add3A_11 : vector<10000x1xf32>
    %rsqrt3A = math.rsqrt %add3A_12 : vector<10000x1xf32>
    %get3A_13 = arith.constant 0 : index
    %get3A_14 = arith.constant 0 : index
    %get3A_15 = vector.load %arg0[%get3A_13, %get3A_14] : memref<10000x128xf32, #tpu.memory_space<vmem>>, vector<10000x128xf32>
    %get3A_16 = arith.constant 0 : index
    %get3A_17 = arith.constant 0 : index
    %get3A_18 = vector.load %arg1[%get3A_16, %get3A_17] : memref<128x128xf32, #tpu.memory_space<vmem>>, vector<128x128xf32>
    %dot_general3A = arith.constant dense<0.000000e+00> : vector<10000x128xf32>
    %dot_general3A_19 = tpu.matmul %get3A_15, %get3A_18, %dot_general3A {dimension_numbers = #tpu.dot_dimension_numbers<[1], [0], [0], [1], [0, 0, 1, 1], [], []>, transpose_lhs_hint = false} : vector<10000x128xf32>, vector<128x128xf32>, vector<10000x128xf32> -> vector<10000x128xf32>
    %mul3A = vector.broadcast %rsqrt3A : vector<10000x1xf32> to vector<10000x128xf32>
    %mul3A_20 = arith.mulf %dot_general3A_19, %mul3A : vector<10000x128xf32>
    %swap3A = arith.constant 0 : index
    %swap3A_21 = arith.constant 0 : index
    %swap3A_22 = vector.load %arg3[%swap3A, %swap3A_21] : memref<10008x128xf32, #tpu.memory_space<vmem>>, vector<10000x128xf32>
    tpu.vector_store %arg3[%swap3A, %swap3A_21], %mul3A_20 {strides = array<i32>} : memref<10008x128xf32, #tpu.memory_space<vmem>>, vector<10000x128xf32>,
    %broadcast_in_dim3A_23 = arith.constant 0.000000e+00 : f32
    %broadcast_in_dim3A_24 = vector.broadcast %broadcast_in_dim3A_23 : f32 to vector<8x128xf32>
    %swap3A_25 = arith.constant 10000 : index
    %swap3A_26 = arith.constant 0 : index
    %swap3A_27 = vector.load %arg3[%swap3A_25, %swap3A_26] : memref<10008x128xf32, #tpu.memory_space<vmem>>, vector<8x128xf32>
    tpu.vector_store %arg3[%swap3A_25, %swap3A_26], %broadcast_in_dim3A_24 {strides = array<i32>} : memref<10008x128xf32, #tpu.memory_space<vmem>>, vector<8x128xf32>,
    return
  }
}

module attributes {stable_mosaic.version = 14 : i64} {
  func.func @body(%arg0: memref<2x10000x128xf32, #tpu.memory_space<vmem>>, %arg1: memref<10008x128xf32, #tpu.memory_space<vmem>>, %arg2: memref<2x10000x128xf32, #tpu.memory_space<vmem>>, %arg3: memref<128xf32, #tpu.memory_space<vmem>>, %arg4: memref<128xf32, #tpu.memory_space<vmem>>, %arg5: memref<128xf32, #tpu.memory_space<vmem>>, %arg6: memref<128x128xf32, #tpu.memory_space<vmem>>, %arg7: memref<10008x128xf32, #tpu.memory_space<vmem>>) attributes {dimension_semantics = [], scalar_prefetch = 0 : i64, scratch_operands = 0 : i64, tpu.core_type = #tpu.core_type<tc>} {
    %get3A = arith.constant 0 : index
    %get3A_0 = arith.constant 0 : index
    %get3A_1 = arith.constant 0 : index
    %get3A_2 = vector.load %arg2[%get3A, %get3A_0, %get3A_1] : memref<2x10000x128xf32, #tpu.memory_space<vmem>>, vector<1x10000x128xf32>
    %get3A_3 = vector.shape_cast %get3A_2 : vector<1x10000x128xf32> to vector<10000x128xf32>
    %get3A_4 = arith.constant 1 : index
    %get3A_5 = arith.constant 0 : index
    %get3A_6 = arith.constant 0 : index
    %get3A_7 = vector.load %arg2[%get3A_4, %get3A_5, %get3A_6] : memref<2x10000x128xf32, #tpu.memory_space<vmem>>, vector<1x10000x128xf32>
    %get3A_8 = vector.shape_cast %get3A_7 : vector<1x10000x128xf32> to vector<10000x128xf32>
    %add3A = arith.addf %get3A_3, %get3A_8 : vector<10000x128xf32>
    %reduce_max3A = arith.constant dense<0xFF800000> : vector<10000xf32>
    %reduce_max3A_9 = vector.multi_reduction <maximumf>, %add3A, %reduce_max3A [1] : vector<10000x128xf32> to vector<10000xf32>
    %broadcast_in_dim3A = vector.shape_cast %reduce_max3A_9 : vector<10000xf32> to vector<10000x1xf32>
    %add3A_10 = arith.constant 1.000000e+00 : f32
    %add3A_11 = vector.broadcast %add3A_10 : f32 to vector<10000x1xf32>
    %add3A_12 = arith.addf %broadcast_in_dim3A, %add3A_11 : vector<10000x1xf32>
    %rsqrt3A = math.rsqrt %add3A_12 : vector<10000x1xf32>
    %get3A_13 = arith.constant 0 : index
    %get3A_14 = arith.constant 0 : index
    %get3A_15 = vector.load %arg1[%get3A_13, %get3A_14] : memref<10008x128xf32, #tpu.memory_space<vmem>>, vector<10000x128xf32>
    %get3A_16 = arith.constant 0 : index
    %get3A_17 = arith.constant 0 : index
    %get3A_18 = arith.constant 0 : index
    %get3A_19 = vector.load %arg0[%get3A_16, %get3A_17, %get3A_18] : memref<2x10000x128xf32, #tpu.memory_space<vmem>>, vector<1x10000x128xf32>
    %get3A_20 = vector.shape_cast %get3A_19 : vector<1x10000x128xf32> to vector<10000x128xf32>
    %get3A_21 = arith.constant 1 : index
    %get3A_22 = arith.constant 0 : index
    %get3A_23 = arith.constant 0 : index
    %get3A_24 = vector.load %arg0[%get3A_21, %get3A_22, %get3A_23] : memref<2x10000x128xf32, #tpu.memory_space<vmem>>, vector<1x10000x128xf32>
    %get3A_25 = vector.shape_cast %get3A_24 : vector<1x10000x128xf32> to vector<10000x128xf32>
    %add3A_26 = arith.addf %get3A_20, %get3A_25 : vector<10000x128xf32>
    %add3A_27 = arith.addf %add3A_26, %get3A_15 : vector<10000x128xf32>
    %mul3A = vector.broadcast %rsqrt3A : vector<10000x1xf32> to vector<10000x128xf32>
    %mul3A_28 = arith.mulf %add3A_27, %mul3A : vector<10000x128xf32>
    %get3A_29 = arith.constant 0 : index
    %get3A_30 = vector.load %arg3[%get3A_29] : memref<128xf32, #tpu.memory_space<vmem>>, vector<128xf32>
    %broadcast_in_dim3A_31 = vector.shape_cast %get3A_30 : vector<128xf32> to vector<1x128xf32>
    %add3A_32 = vector.broadcast %broadcast_in_dim3A_31 : vector<1x128xf32> to vector<10000x128xf32>
    %add3A_33 = arith.addf %mul3A_28, %add3A_32 : vector<10000x128xf32>
    %get3A_34 = arith.constant 0 : index
    %get3A_35 = vector.load %arg4[%get3A_34] : memref<128xf32, #tpu.memory_space<vmem>>, vector<128xf32>
    %get3A_36 = arith.constant 0 : index
    %get3A_37 = vector.load %arg5[%get3A_36] : memref<128xf32, #tpu.memory_space<vmem>>, vector<128xf32>
    %reduce_sum3A = arith.constant dense<0.000000e+00> : vector<128xf32>
    %reduce_sum3A_38 = vector.multi_reduction <add>, %add3A_33, %reduce_sum3A [0] : vector<10000x128xf32> to vector<128xf32>
    %broadcast_in_dim3A_39 = vector.shape_cast %reduce_sum3A_38 : vector<128xf32> to vector<1x128xf32>
    %div3A = arith.constant 1.000000e+04 : f32
    %div3A_40 = vector.broadcast %div3A : f32 to vector<1x128xf32>
    %div3A_41 = arith.divf %broadcast_in_dim3A_39, %div3A_40 : vector<1x128xf32>
    %sub3A = vector.broadcast %div3A_41 : vector<1x128xf32> to vector<10000x128xf32>
    %sub3A_42 = arith.subf %add3A_33, %sub3A : vector<10000x128xf32>
    %integer_pow3A = arith.mulf %sub3A_42, %sub3A_42 : vector<10000x128xf32>
    %reduce_sum3A_43 = arith.constant dense<0.000000e+00> : vector<128xf32>
    %reduce_sum3A_44 = vector.multi_reduction <add>, %integer_pow3A, %reduce_sum3A_43 [0] : vector<10000x128xf32> to vector<128xf32>
    %broadcast_in_dim3A_45 = vector.shape_cast %reduce_sum3A_44 : vector<128xf32> to vector<1x128xf32>
    %div3A_46 = arith.constant 1.000000e+04 : f32
    %div3A_47 = vector.broadcast %div3A_46 : f32 to vector<1x128xf32>
    %div3A_48 = arith.divf %broadcast_in_dim3A_45, %div3A_47 : vector<1x128xf32>
    %sub3A_49 = vector.broadcast %div3A_41 : vector<1x128xf32> to vector<10000x128xf32>
    %sub3A_50 = arith.subf %add3A_33, %sub3A_49 : vector<10000x128xf32>
    %add3A_51 = arith.constant 9.99999974E-6 : f32
    %add3A_52 = vector.broadcast %add3A_51 : f32 to vector<1x128xf32>
    %add3A_53 = arith.addf %div3A_48, %add3A_52 : vector<1x128xf32>
    %rsqrt3A_54 = math.rsqrt %add3A_53 : vector<1x128xf32>
    %mul3A_55 = vector.broadcast %rsqrt3A_54 : vector<1x128xf32> to vector<10000x128xf32>
    %mul3A_56 = arith.mulf %sub3A_50, %mul3A_55 : vector<10000x128xf32>
    %broadcast_in_dim3A_57 = vector.shape_cast %get3A_35 : vector<128xf32> to vector<1x128xf32>
    %mul3A_58 = vector.broadcast %broadcast_in_dim3A_57 : vector<1x128xf32> to vector<10000x128xf32>
    %mul3A_59 = arith.mulf %mul3A_56, %mul3A_58 : vector<10000x128xf32>
    %broadcast_in_dim3A_60 = vector.shape_cast %get3A_37 : vector<128xf32> to vector<1x128xf32>
    %add3A_61 = vector.broadcast %broadcast_in_dim3A_60 : vector<1x128xf32> to vector<10000x128xf32>
    %add3A_62 = arith.addf %mul3A_59, %add3A_61 : vector<10000x128xf32>
    %max3A = arith.constant 0.000000e+00 : f32
    %max3A_63 = vector.broadcast %max3A : f32 to vector<10000x128xf32>
    %max3A_64 = arith.maximumf %add3A_62, %max3A_63 : vector<10000x128xf32>
    %get3A_65 = arith.constant 0 : index
    %get3A_66 = arith.constant 0 : index
    %get3A_67 = vector.load %arg6[%get3A_65, %get3A_66] : memref<128x128xf32, #tpu.memory_space<vmem>>, vector<128x128xf32>
    %dot_general3A = arith.constant dense<0.000000e+00> : vector<10000x128xf32>
    %dot_general3A_68 = tpu.matmul %max3A_64, %get3A_67, %dot_general3A {dimension_numbers = #tpu.dot_dimension_numbers<[1], [0], [0], [1], [0, 0, 1, 1], [], []>, transpose_lhs_hint = false} : vector<10000x128xf32>, vector<128x128xf32>, vector<10000x128xf32> -> vector<10000x128xf32>
    %mul3A_69 = vector.broadcast %rsqrt3A : vector<10000x1xf32> to vector<10000x128xf32>
    %mul3A_70 = arith.mulf %dot_general3A_68, %mul3A_69 : vector<10000x128xf32>
    %swap3A = arith.constant 0 : index
    %swap3A_71 = arith.constant 0 : index
    %swap3A_72 = vector.load %arg7[%swap3A, %swap3A_71] : memref<10008x128xf32, #tpu.memory_space<vmem>>, vector<10000x128xf32>
    tpu.vector_store %arg7[%swap3A, %swap3A_71], %mul3A_70 {strides = array<i32>} : memref<10008x128xf32, #tpu.memory_space<vmem>>, vector<10000x128xf32>,
    %broadcast_in_dim3A_73 = arith.constant 0.000000e+00 : f32
    %broadcast_in_dim3A_74 = vector.broadcast %broadcast_in_dim3A_73 : f32 to vector<8x128xf32>
    %swap3A_75 = arith.constant 10000 : index
    %swap3A_76 = arith.constant 0 : index
    %swap3A_77 = vector.load %arg7[%swap3A_75, %swap3A_76] : memref<10008x128xf32, #tpu.memory_space<vmem>>, vector<8x128xf32>
    tpu.vector_store %arg7[%swap3A_75, %swap3A_76], %broadcast_in_dim3A_74 {strides = array<i32>} : memref<10008x128xf32, #tpu.memory_space<vmem>>, vector<8x128xf32>,
    return
  }
}

module attributes {stable_mosaic.version = 14 : i64} {
  func.func @body(%arg0: memref<2x10000x128xf32, #tpu.memory_space<vmem>>, %arg1: memref<10008x128xf32, #tpu.memory_space<vmem>>, %arg2: memref<2x10000x128xf32, #tpu.memory_space<vmem>>, %arg3: memref<128xf32, #tpu.memory_space<vmem>>, %arg4: memref<128xf32, #tpu.memory_space<vmem>>, %arg5: memref<128xf32, #tpu.memory_space<vmem>>, %arg6: memref<8x10000xi32, #tpu.memory_space<vmem>>, %arg7: memref<128x64xf32, #tpu.memory_space<vmem>>, %arg8: memref<64xf32, #tpu.memory_space<vmem>>, %arg9: memref<64x1xf32, #tpu.memory_space<vmem>>, %arg10: memref<1xf32, #tpu.memory_space<vmem>>, %arg11: memref<64x1xf32, #tpu.memory_space<vmem>>) attributes {dimension_semantics = [], scalar_prefetch = 0 : i64, scratch_operands = 0 : i64, tpu.core_type = #tpu.core_type<tc>} {
    %get3A = arith.constant 0 : index
    %get3A_0 = arith.constant 0 : index
    %get3A_1 = arith.constant 0 : index
    %get3A_2 = vector.load %arg2[%get3A, %get3A_0, %get3A_1] : memref<2x10000x128xf32, #tpu.memory_space<vmem>>, vector<1x10000x128xf32>
    %get3A_3 = vector.shape_cast %get3A_2 : vector<1x10000x128xf32> to vector<10000x128xf32>
    %get3A_4 = arith.constant 1 : index
    %get3A_5 = arith.constant 0 : index
    %get3A_6 = arith.constant 0 : index
    %get3A_7 = vector.load %arg2[%get3A_4, %get3A_5, %get3A_6] : memref<2x10000x128xf32, #tpu.memory_space<vmem>>, vector<1x10000x128xf32>
    %get3A_8 = vector.shape_cast %get3A_7 : vector<1x10000x128xf32> to vector<10000x128xf32>
    %add3A = arith.addf %get3A_3, %get3A_8 : vector<10000x128xf32>
    %reduce_max3A = arith.constant dense<0xFF800000> : vector<10000xf32>
    %reduce_max3A_9 = vector.multi_reduction <maximumf>, %add3A, %reduce_max3A [1] : vector<10000x128xf32> to vector<10000xf32>
    %broadcast_in_dim3A = vector.shape_cast %reduce_max3A_9 : vector<10000xf32> to vector<10000x1xf32>
    %add3A_10 = arith.constant 1.000000e+00 : f32
    %add3A_11 = vector.broadcast %add3A_10 : f32 to vector<10000x1xf32>
    %add3A_12 = arith.addf %broadcast_in_dim3A, %add3A_11 : vector<10000x1xf32>
    %rsqrt3A = math.rsqrt %add3A_12 : vector<10000x1xf32>
    %get3A_13 = arith.constant 0 : index
    %get3A_14 = arith.constant 0 : index
    %get3A_15 = vector.load %arg1[%get3A_13, %get3A_14] : memref<10008x128xf32, #tpu.memory_space<vmem>>, vector<10000x128xf32>
    %get3A_16 = arith.constant 0 : index
    %get3A_17 = arith.constant 0 : index
    %get3A_18 = arith.constant 0 : index
    %get3A_19 = vector.load %arg0[%get3A_16, %get3A_17, %get3A_18] : memref<2x10000x128xf32, #tpu.memory_space<vmem>>, vector<1x10000x128xf32>
    %get3A_20 = vector.shape_cast %get3A_19 : vector<1x10000x128xf32> to vector<10000x128xf32>
    %get3A_21 = arith.constant 1 : index
    %get3A_22 = arith.constant 0 : index
    %get3A_23 = arith.constant 0 : index
    %get3A_24 = vector.load %arg0[%get3A_21, %get3A_22, %get3A_23] : memref<2x10000x128xf32, #tpu.memory_space<vmem>>, vector<1x10000x128xf32>
    %get3A_25 = vector.shape_cast %get3A_24 : vector<1x10000x128xf32> to vector<10000x128xf32>
    %add3A_26 = arith.addf %get3A_20, %get3A_25 : vector<10000x128xf32>
    %add3A_27 = arith.addf %add3A_26, %get3A_15 : vector<10000x128xf32>
    %mul3A = vector.broadcast %rsqrt3A : vector<10000x1xf32> to vector<10000x128xf32>
    %mul3A_28 = arith.mulf %add3A_27, %mul3A : vector<10000x128xf32>
    %get3A_29 = arith.constant 0 : index
    %get3A_30 = vector.load %arg3[%get3A_29] : memref<128xf32, #tpu.memory_space<vmem>>, vector<128xf32>
    %broadcast_in_dim3A_31 = vector.shape_cast %get3A_30 : vector<128xf32> to vector<1x128xf32>
    %add3A_32 = vector.broadcast %broadcast_in_dim3A_31 : vector<1x128xf32> to vector<10000x128xf32>
    %add3A_33 = arith.addf %mul3A_28, %add3A_32 : vector<10000x128xf32>
    %get3A_34 = arith.constant 0 : index
    %get3A_35 = vector.load %arg4[%get3A_34] : memref<128xf32, #tpu.memory_space<vmem>>, vector<128xf32>
    %get3A_36 = arith.constant 0 : index
    %get3A_37 = vector.load %arg5[%get3A_36] : memref<128xf32, #tpu.memory_space<vmem>>, vector<128xf32>
    %reduce_sum3A = arith.constant dense<0.000000e+00> : vector<128xf32>
    %reduce_sum3A_38 = vector.multi_reduction <add>, %add3A_33, %reduce_sum3A [0] : vector<10000x128xf32> to vector<128xf32>
    %broadcast_in_dim3A_39 = vector.shape_cast %reduce_sum3A_38 : vector<128xf32> to vector<1x128xf32>
    %div3A = arith.constant 1.000000e+04 : f32
    %div3A_40 = vector.broadcast %div3A : f32 to vector<1x128xf32>
    %div3A_41 = arith.divf %broadcast_in_dim3A_39, %div3A_40 : vector<1x128xf32>
    %sub3A = vector.broadcast %div3A_41 : vector<1x128xf32> to vector<10000x128xf32>
    %sub3A_42 = arith.subf %add3A_33, %sub3A : vector<10000x128xf32>
    %integer_pow3A = arith.mulf %sub3A_42, %sub3A_42 : vector<10000x128xf32>
    %reduce_sum3A_43 = arith.constant dense<0.000000e+00> : vector<128xf32>
    %reduce_sum3A_44 = vector.multi_reduction <add>, %integer_pow3A, %reduce_sum3A_43 [0] : vector<10000x128xf32> to vector<128xf32>
    %broadcast_in_dim3A_45 = vector.shape_cast %reduce_sum3A_44 : vector<128xf32> to vector<1x128xf32>
    %div3A_46 = arith.constant 1.000000e+04 : f32
    %div3A_47 = vector.broadcast %div3A_46 : f32 to vector<1x128xf32>
    %div3A_48 = arith.divf %broadcast_in_dim3A_45, %div3A_47 : vector<1x128xf32>
    %sub3A_49 = vector.broadcast %div3A_41 : vector<1x128xf32> to vector<10000x128xf32>
    %sub3A_50 = arith.subf %add3A_33, %sub3A_49 : vector<10000x128xf32>
    %add3A_51 = arith.constant 9.99999974E-6 : f32
    %add3A_52 = vector.broadcast %add3A_51 : f32 to vector<1x128xf32>
    %add3A_53 = arith.addf %div3A_48, %add3A_52 : vector<1x128xf32>
    %rsqrt3A_54 = math.rsqrt %add3A_53 : vector<1x128xf32>
    %mul3A_55 = vector.broadcast %rsqrt3A_54 : vector<1x128xf32> to vector<10000x128xf32>
    %mul3A_56 = arith.mulf %sub3A_50, %mul3A_55 : vector<10000x128xf32>
    %broadcast_in_dim3A_57 = vector.shape_cast %get3A_35 : vector<128xf32> to vector<1x128xf32>
    %mul3A_58 = vector.broadcast %broadcast_in_dim3A_57 : vector<1x128xf32> to vector<10000x128xf32>
    %mul3A_59 = arith.mulf %mul3A_56, %mul3A_58 : vector<10000x128xf32>
    %broadcast_in_dim3A_60 = vector.shape_cast %get3A_37 : vector<128xf32> to vector<1x128xf32>
    %add3A_61 = vector.broadcast %broadcast_in_dim3A_60 : vector<1x128xf32> to vector<10000x128xf32>
    %add3A_62 = arith.addf %mul3A_59, %add3A_61 : vector<10000x128xf32>
    %max3A = arith.constant 0.000000e+00 : f32
    %max3A_63 = vector.broadcast %max3A : f32 to vector<10000x128xf32>
    %max3A_64 = arith.maximumf %add3A_62, %max3A_63 : vector<10000x128xf32>
    %get3A_65 = arith.constant 0 : index
    %get3A_66 = arith.constant 0 : index
    %get3A_67 = vector.load %arg6[%get3A_65, %get3A_66] : memref<8x10000xi32, #tpu.memory_space<vmem>>, vector<1x10000xi32>
    %iota3A = tpu.iota {dimensions = array<i32: 0>} : vector<64x10000xi32>
    %eq3A = vector.broadcast %get3A_67 : vector<1x10000xi32> to vector<64x10000xi32>
    %eq3A_68 = arith.cmpi eq, %iota3A, %eq3A : vector<64x10000xi32>
    %convert_element_type3A = arith.extui %eq3A_68 : vector<64x10000xi1> to vector<64x10000xi32>
    %convert_element_type3A_69 = arith.sitofp %convert_element_type3A : vector<64x10000xi32> to vector<64x10000xf32>
    %dot_general3A = arith.constant dense<0.000000e+00> : vector<64x128xf32>
    %dot_general3A_70 = tpu.matmul %convert_element_type3A_69, %max3A_64, %dot_general3A {dimension_numbers = #tpu.dot_dimension_numbers<[1], [0], [0], [1], [0, 0, 1, 1], [], []>, transpose_lhs_hint = false} : vector<64x10000xf32>, vector<10000x128xf32>, vector<64x128xf32> -> vector<64x128xf32>
    %reduce_sum3A_71 = arith.constant dense<0.000000e+00> : vector<64xf32>
    %reduce_sum3A_72 = vector.multi_reduction <add>, %convert_element_type3A_69, %reduce_sum3A_71 [1] : vector<64x10000xf32> to vector<64xf32>
    %broadcast_in_dim3A_73 = vector.shape_cast %reduce_sum3A_72 : vector<64xf32> to vector<64x1xf32>
    %max3A_74 = arith.constant 1.000000e+00 : f32
    %max3A_75 = vector.broadcast %max3A_74 : f32 to vector<64x1xf32>
    %max3A_76 = arith.maximumf %broadcast_in_dim3A_73, %max3A_75 : vector<64x1xf32>
    %div3A_77 = vector.broadcast %max3A_76 : vector<64x1xf32> to vector<64x128xf32>
    %div3A_78 = arith.divf %dot_general3A_70, %div3A_77 : vector<64x128xf32>
    %get3A_79 = arith.constant 0 : index
    %get3A_80 = arith.constant 0 : index
    %get3A_81 = vector.load %arg7[%get3A_79, %get3A_80] : memref<128x64xf32, #tpu.memory_space<vmem>>, vector<128x64xf32>
    %dot_general3A_82 = arith.constant dense<0.000000e+00> : vector<64x64xf32>
    %dot_general3A_83 = tpu.matmul %div3A_78, %get3A_81, %dot_general3A_82 {dimension_numbers = #tpu.dot_dimension_numbers<[1], [0], [0], [1], [0, 0, 1, 1], [], []>, transpose_lhs_hint = false} : vector<64x128xf32>, vector<128x64xf32>, vector<64x64xf32> -> vector<64x64xf32>
    %get3A_84 = arith.constant 0 : index
    %get3A_85 = vector.load %arg8[%get3A_84] : memref<64xf32, #tpu.memory_space<vmem>>, vector<64xf32>
    %broadcast_in_dim3A_86 = vector.shape_cast %get3A_85 : vector<64xf32> to vector<1x64xf32>
    %add3A_87 = vector.broadcast %broadcast_in_dim3A_86 : vector<1x64xf32> to vector<64x64xf32>
    %add3A_88 = arith.addf %dot_general3A_83, %add3A_87 : vector<64x64xf32>
    %max3A_89 = arith.constant 0.000000e+00 : f32
    %max3A_90 = vector.broadcast %max3A_89 : f32 to vector<64x64xf32>
    %max3A_91 = arith.maximumf %add3A_88, %max3A_90 : vector<64x64xf32>
    %get3A_92 = arith.constant 0 : index
    %get3A_93 = arith.constant 0 : index
    %get3A_94 = vector.load %arg9[%get3A_92, %get3A_93] : memref<64x1xf32, #tpu.memory_space<vmem>>, vector<64x1xf32>
    %dot_general3A_95 = arith.constant dense<0.000000e+00> : vector<64x1xf32>
    %dot_general3A_96 = tpu.matmul %max3A_91, %get3A_94, %dot_general3A_95 {dimension_numbers = #tpu.dot_dimension_numbers<[1], [0], [0], [1], [0, 0, 1, 1], [], []>, transpose_lhs_hint = false} : vector<64x64xf32>, vector<64x1xf32>, vector<64x1xf32> -> vector<64x1xf32>
    %get3A_97 = arith.constant 0 : index
    %get3A_98 = vector.load %arg10[%get3A_97] : memref<1xf32, #tpu.memory_space<vmem>>, vector<1xf32>
    %broadcast_in_dim3A_99 = vector.shape_cast %get3A_98 : vector<1xf32> to vector<1x1xf32>
    %add3A_100 = vector.broadcast %broadcast_in_dim3A_99 : vector<1x1xf32> to vector<64x1xf32>
    %add3A_101 = arith.addf %dot_general3A_96, %add3A_100 : vector<64x1xf32>
    %swap3A = arith.constant 0 : index
    %swap3A_102 = arith.constant 0 : index
    %swap3A_103 = vector.load %arg11[%swap3A, %swap3A_102] : memref<64x1xf32, #tpu.memory_space<vmem>>, vector<64x1xf32>
    tpu.vector_store %arg11[%swap3A, %swap3A_102], %add3A_101 {strides = array<i32>} : memref<64x1xf32, #tpu.memory_space<vmem>>, vector<64x1xf32>,
    return
  }
}

</mosaic_0001>

<sc_bundles>
// kernel: kernel.10.cloned.1.call-start
scs
__scs_entry_jumppad:
0x0: {  	(pc) =	sbr.rel $0x88, $3  }
0x1: {  	(tag) =	ssettag $0x0;
	lr =	simm.s32 $0x1  }
0x2: {  	[smem:$0x3F8E] =	sst lr;
	_ =	strace $0xD0000000  }
0x3: {  	_ = 	snop  }
0x4: {  	_ = 	snop  }
0x5: {  	_ = 	snop  }
0x6: {  	_ = 	snop  }
0x7: {  	_ = 	snop  }
__scs_overlays_trampoline_lowered:
0x8: {  	[smem:$0x3F9D] =	sst s0  }
0x9: {  	[smem:$0x3F9E] =	sst s1  }
0xa: {  	[smem:$0x3F9F] =	sst s2  }
0xb: {  	[smem:$0x3FA0] =	sst s3  }
0xc: {  	[smem:$0x3FA1] =	sst s4  }
0xd: {  	[smem:$0x3FA2] =	sst s5  }
0xe: {  	[smem:$0x3FA3] =	sst s6  }
0xf: {  	[smem:$0x3FA4] =	sst s7  }
0x10: {  	[smem:$0x3FA5] =	sst s8  }
0x11: {  	[smem:$0x3FA6] =	sst s9;
	s0 =	simm.s32 @!p0 $0x0  }
0x12: {  	s1 =	sld [smem:$0x3F8C];
	s0 =	simm.s32 @p0 $0x1  }
0x13: {  	[smem:$0x3FA7] =	sst s0;
	s0 =	simm.s32 @!p1 $0x0  }
0x14: {  	s2 =	sld [smem:$0x3F8B];
	s0 =	simm.s32 @p1 $0x1  }
0x15: {  	[smem:$0x3FA8] =	sst s0;
	s0 =	simm.s32 @!p2 $0x0  }
0x16: {  	s3 =	sld [smem:$0x3FDB];
	s0 =	simm.s32 @p2 $0x1  }
0x17: {  	s4 =	simm.s32 $0x1BF5;
	[smem:$0x3FAA] =	sst s0  }
0x18: {  	s0 =	sld [smem:$0x3F8D];
	_ =	swait.ge [sflag:s4], $0x0  }
0x19: {  	s7 =	sld [smem:$0x3F8E]  }
0x1a: {  	s8 =	sadd.s32 $0xFFFFE003, lr  }
0x1b: {  	s9 =	sadd.s32 $0xFFFFFEF7, lr;
	s5 =	simm.s32 $0xFFFFFFFF;
	p2 =	slt.u32 s8, $0xFFFFF086  }
0x1c: {  	p1 =	slt.u32 s9, $0xF7A;
	s5 =	simm.s32 @!p2 $0x0  }
0x1d: {  	s5 =	simm.s32 @p1 $0x1;
	p0 =	seq.s32 s7, s2  }
0x1e: {  	s7 =	smul.u32 @!p0 $0xF7A, s2;
	p2 =	seq.s32 @!p0 s5, $0x0  }
0x1f: {  	s9 =	smul.u32 $0xF7A, s1;
	s8 =	simm.s32 @!p0 $0x1BF5;
	p2 =	por !p2, p0  }
0x20: {  	[sflag:s8] =	ssyncset.s32 @!p0 $0xFFFFF086;
	s6 =	sadd.s32 @!p0 s3, s7;
	s7 =	simm.s32 @!p0 $0x108  }
0x21: {  	s3 =	sadd.s32 s3, s9;
	s6 =	sadd.s32 @!p0 $0x88, s6;
	s7 =	simm.s32 @p2 $0x1082  }
0x22: {  	[simem:s7], [sflag:s8] =	dma.local @!p0 [hbm:s6], $0xF7A  }
0x23: {  	s9 =	sor.u32 $0xD0000000, s2;
	s6 =	simm.s32 $0x108;
	_ =	swait.ge @!p0 [sflag:s8], $0x0  }
0x24: {  	s3 =	sadd.s32 $0x88, s3;
	s6 =	simm.s32 @!p1 $0x1082;
	[sflag:s4] =	ssyncset.s32 $0xFFFFF086  }
0x25: {  	[simem:s6], [sflag:s4] =	dma.local [hbm:s3], $0xF7A  }
0x26: {  	[smem:$0x3F8E] =	sst s1;
	(tag) =	ssettag s2;
	_ =	strace s9  }
0x27: {  	s1 =	sld [smem:$0x3F9E]  }
0x28: {  	s2 =	sld [smem:$0x3F9F]  }
0x29: {  	s4 =	sld [smem:$0x3FA1]  }
0x2a: {  	p0 =	seq.s32 s5, $0x0;
	s5 =	sld [smem:$0x3FA2]  }
0x2b: {  	s6 =	sld [smem:$0x3FA3]  }
0x2c: {  	s7 =	sld [smem:$0x3FA4]  }
0x2d: {  	s3 =	simm.s32 $0x108;
	s8 =	sld [smem:$0x3FA5]  }
0x2e: {  	s3 =	simm.s32 @!p0 $0x1082;
	s9 =	sld [smem:$0x3FA6]  }
0x2f: {  	lr =	sadd.s32 s0, s3;
	s0 =	sld [smem:$0x3F9D]  }
0x30: {  	s3 =	sld [smem:$0x3FA0]  }
0x31: {  	[smem:$0x3FA9] =	sst s10  }
0x32: {  	s10 =	sld [smem:$0x3FA7];
	_ =	sdelay $0x3  }
0x33: {  	p0 =	seq.s32 s10, $0x1;
	s10 =	sld [smem:$0x3FA9];
	_ =	sdelay $0x3  }
0x34: {  	[smem:$0x3FA9] =	sst s10  }
0x35: {  	s10 =	sld [smem:$0x3FA8];
	_ =	sdelay $0x3  }
0x36: {  	p1 =	seq.s32 s10, $0x1;
	s10 =	sld [smem:$0x3FA9];
	_ =	sdelay $0x3  }
0x37: {  	[smem:$0x3FA9] =	sst s10  }
0x38: {  	s10 =	sld [smem:$0x3FAA]  }
0x39: {  	_ = 	snop;
	(pc) =	sbr.ind lr, $3  }
0x3a: {  	_ = 	snop  }
0x3b: {  	_ = 	snop  }
0x3c: {  	p2 =	seq.s32 s10, $0x1;
	s10 =	sld [smem:$0x3FA9]  }
0x3d: {  	_ =	shalt  }
0x3e: {  	_ =	shalt  }
0x3f: {  	_ =	shalt  }
0x40: {  	_ =	shalt  }
0x41: {  	_ =	shalt  }
0x42: {  	_ =	shalt  }
0x43: {  	_ =	shalt  }
0x44: {  	_ =	shalt  }
0x45: {  	_ =	shalt  }
0x46: {  	_ =	shalt  }
0x47: {  	_ =	shalt  }
0x48: {  	_ =	shalt  }
0x49: {  	_ =	shalt  }
0x4a: {  	_ =	shalt  }
0x4b: {  	_ =	shalt  }
0x4c: {  	_ =	shalt  }
0x4d: {  	_ =	shalt  }
0x4e: {  	_ =	shalt  }
0x4f: {  	_ =	shalt  }
0x50: {  	_ =	shalt  }
0x51: {  	_ =	shalt  }
0x52: {  	_ =	shalt  }
0x53: {  	_ =	shalt  }
0x54: {  	_ =	shalt  }
0x55: {  	_ =	shalt  }
0x56: {  	_ =	shalt  }
0x57: {  	_ =	shalt  }
0x58: {  	_ =	shalt  }
0x59: {  	_ =	shalt  }
0x5a: {  	_ =	shalt  }
0x5b: {  	_ =	shalt  }
0x5c: {  	_ =	shalt  }
0x5d: {  	_ =	shalt  }
0x5e: {  	_ =	shalt  }
0x5f: {  	_ =	shalt  }
0x60: {  	_ =	shalt  }
0x61: {  	_ =	shalt  }
0x62: {  	_ =	shalt  }
0x63: {  	_ =	shalt  }
0x64: {  	_ =	shalt  }
0x65: {  	_ =	shalt  }
0x66: {  	_ =	shalt  }
0x67: {  	_ =	shalt  }
0x68: {  	_ =	shalt  }
0x69: {  	_ =	shalt  }
0x6a: {  	_ =	shalt  }
0x6b: {  	_ =	shalt  }
0x6c: {  	_ =	shalt  }
0x6d: {  	_ =	shalt  }
0x6e: {  	_ =	shalt  }
0x6f: {  	_ =	shalt  }
0x70: {  	_ =	shalt  }
0x71: {  	_ =	shalt  }
0x72: {  	_ =	shalt  }
0x73: {  	_ =	shalt  }
0x74: {  	_ =	shalt  }
0x75: {  	_ =	shalt  }
0x76: {  	_ =	shalt  }
0x77: {  	_ =	shalt  }
0x78: {  	_ =	shalt  }
0x79: {  	_ =	shalt  }
0x7a: {  	_ =	shalt  }
0x7b: {  	_ =	shalt  }
0x7c: {  	_ =	shalt  }
0x7d: {  	_ =	shalt  }
0x7e: {  	_ =	shalt  }
0x7f: {  	_ =	shalt  }
0x80: {  	_ =	shalt  }
0x81: {  	_ =	shalt  }
0x82: {  	_ =	shalt  }
0x83: {  	_ =	shalt  }
0x84: {  	_ =	shalt  }
0x85: {  	_ =	shalt  }
0x86: {  	_ =	shalt  }
0x87: {  	_ =	shalt  }
.Lfunc_end0:
.L_simem_size_0:
called_computation_lowered:
.L_overlay_start_0:
0x88: {  	s2 =	sld [smem:$0x3FD9]  }
0x89: {  	s3 =	sld [smem:$0x3FFE];
	_ =	sdelay $0x1  }
0x8a: {  	s1 =	srdreg.scid  }
0x8b: {  	s0 =	sand.u32 $0x1, s1  }
0x8c: {  	s16 =	sshll.u32 s0, $0xA;
	s2 =	sadd.s32 s3, s2  }
0x8d: {  	s2 =	sadd.s32 s2, s16  }
0x8e: {  	[smem:$0x3FB5] =	sst s2  }
0x8f: {  	_ = 	snop  }
0x90: {  	(tm) =	ssettm $0x1  }
0x91: {  	s17 =	sld [smem:$0x3FFB];
	_ =	sdelay $0x3  }
0x92: {  	_ =	strace s17  }
0x93: {  	s2 =	sld [smem:$0x3FFC];
	_ =	sdelay $0x3  }
0x94: {  	_ =	strace s2  }
0x95: {  	s2 =	sld [smem:$0x3FFD];
	_ =	sdelay $0x3  }
0x96: {  	_ =	strace s2  }
0x97: {  	_ =	strace $0x8FFFFFFF  }
0x98: {  	s18 =	sld [smem:$0x3FDB];
	_ =	sdelay $0x1  }
0x99: {  	s19 =	simm.s32 $_scs_section_size  }
0x9a: {  	s4 =	simm.s32 $_size__tile_overlayer_lowered;
	s5 =	simm.s32 $_tile_overlayer_lowered  }
0x9b: {  	s22 =	simm.s32 $0x1BFF;
	s21 =	sshll.u32 s5, $0x1;
	s2 =	sadd.s32 s19, s18  }
0x9c: {  	s6 =	simm.s32 $0x0;
	s20 =	sshll.u32 s4, $0x1;
	s4 =	sadd.s32 s21, s2  }
0x9d: {  	[timem:s6], [sflag:s22] =	dma.local [hbm:s4], s20  }
0x9e: {  	_ =	swait.ge [sflag:s22], s20  }
0x9f: {  	s3 =	ssub.s32 $0x0, s20;
	[sflag:s22] =	ssyncset.done $0x0  }
0xa0: {  	[sflag:s22] =	ssyncadd.s32 s3;
	_ =	sdelay $0x1  }
0xa1: {  	s23 =	simm.s32 $0x1B8B  }
0xa2: {  	_ =	swait.ge [sflag:s23], $0x1  }
0xa3: {  	[sflag:s23] =	ssyncset.done $0x0  }
0xa4: {  	s25 =	simm.s32 $0x1B8E;
	s24 =	sld [smem:$0x3FFE];
	[sflag:s23] =	ssyncadd.s32 $0xFFFFFFFF  }
0xa5: {  	s26 =	simm.s32 $execute0_lowered;
	[smem:$0x3FD2] =	sst s25  }
0xa6: {  	s4 =	sshll.u32 s26, $0x1;
	_ =	strace $0x80000046;
	[dreg:$0x1] =	wrdreg $0xFFFFFFFF  }
0xa7: {  	s28 =	simm.s32 $_size_execute0_lowered;
	s2 =	sadd.s32 s2, s4;
	[dreg:$0x0] =	wrdreg $0x0  }
0xa8: {  	s4 =	sshll.u32 s28, $0x1;
	[dreg:$0x2] =	wrdreg s2  }
0xa9: {  	[dreg:$0x3] =	wrdreg s4  }
0xaa: {  	[dreg:$0x4] =	wrdreg $0xC0  }
0xab: {  	_ =	task [dreg:s6], $0x5FFFF  }
0xac: {  	[dreg:$0x1] =	wrdreg $0xFFFFFFFF  }
0xad: {  	[dreg:$0x0] =	wrdreg $0x60  }
0xae: {  	[dreg:$0x2] =	wrdreg s24  }
0xaf: {  	[dreg:$0x3] =	wrdreg $0x40800  }
0xb0: {  	[dreg:$0x4] =	wrdreg $0x9  }
0xb1: {  	_ =	task.clear_ibuf [dreg:s6], $0x5FFFF;
	_ =	strace $0x90000046  }
0xb2: {  	s29 =	simm.s32 $0x9;
	_ =	strace $0x80000048  }
0xb3: {  	_ =	swait.ge [sflag:s29], $0x1  }
0xb4: {  	[sflag:s29] =	ssyncadd.s32 $0xFFFFFFFF  }
0xb5: {  	_ =	strace $0x90000048  }
0xb6: {  	_ =	sfence  }
0xb7: {  	s30 =	sld [smem:$0x0];
	_ =	sdelay $0x2  }
0xb8: {  	s31 =	sshll.u32 s1, $0xD;
	s1 =	sshrl.u32 s1, $0x2  }
0xb9: {  	s3 =	sand.u32 $0x4000, s31;
	s1 =	sadd.s32 s1, s30  }
0xba: {  	s0 =	sor.u32 s3, s0;
	s1 =	sshll.u32 s1, $0x11  }
0xbb: {  	s0 =	sor.u32 s1, s0  }
0xbc: {  	s0 =	sadd.s32 $0x8F2B, s0  }
0xbd: {  	[sflag:s0] =	ssyncadd.remote.s32 $0x1  }
0xbe: {  	_ =	sfence.sel $0xFFFF  }
0xbf: {  	[dreg:$0x0] =	wrdreg $0xFFFFFFFF;
	(pc) =	sbr.abs _section_cstart, $3  }
0xc0: {  	[dreg:$0x1] =	wrdreg $0xFFFFFFFF  }
0xc1: {  	_ =	task.clear_ibuf [dreg:s6], $0x2FFFF;
	_ =	strace $0x9FFFFFFF  }
0xc2: {  	(tm) =	ssettm $0x7FFFFFFF  }
0xc3: {  	_ =	shalt  }
tec
execute0_lowered:
.L_overlay_start_1:
0x0: {  	(tag) =	ssettag $0x1  }
0x1: {  	s4 =	rddreg [dreg:$0x0]  }
0x2: {  	s1 =	rddreg [dreg:$0x1];
	s13 =	stileid.u32  }
0x3: {  	s0 =	rddreg [dreg:$0x2];
	s6 =	smul.u32 $0x2780, s13  }
0x4: {  	s2 =	simm.s32 $0x0;
	s3 =	srdreg.scid;
	s7 =	smul.u32 $0x4F000, s13  }
0x5: {  	[smem:$0x7FF] =	sst s2;
	s5 =	sand.u32 $0x1, s3;
	s11 =	smul.u32 $0x13800, s13  }
0x6: {  	s12 =	sadd.s32 $0x36200, s4;
	s23 =	sshll.u32 s13, $0x6;
	s25 =	smul.u32 $0x4E000, s13  }
0x7: {  	s29 =	smul.u32 $0x4F0, s13;
	s16 =	sadd.s32 $0x138000, s1;
	p0 =	sne.s32 s13, $0x0  }
0x8: {  	s3 =	smul.u32 $0x4F00, s5;
	_ =	strace $0x80000047;
	s9 =	ssub.s32 $0x2, s5  }
0x9: {  	s10 =	smul.u32 $0x138800, s5;
	s5 =	sor.u32 $0x1C01, s23;
	s6 =	sadd.s32 s6, s4  }
0xa: {  	s22 =	sshrl.u32 s9, $0x1;
	s7 =	sshrl.u32 s7, $0x2;
	s28 =	sshrl.u32 s25, $0x2  }
0xb: {  	s8 =	sadd.s32 s3, s4;
	s3 =	sadd.s32 $0x35A00, s4;
	s9 =	ssub.s32 s9, s22  }
0xc: {  	s14 =	sadd.s32 s7, s1;
	s24 =	sadd.s32 s11, s10;
	s4 =	sadd.s32 $0xE200, s6  }
0xd: {  	s10 =	sshrl.u32 s10, $0x3;
	s15 =	sadd.s32 s28, s1;
	s11 =	simm.s32 $0x1  }
0xe: {  	s26 =	sshrl.u32 s24, $0x3;
	s30 =	sadd.s32 s12, s10;
	s31 =	sadd.s32 s29, s8  }
0xf: {  	s8 =	smax.u32 s9, $0x1;
	s10 =	sshrl.u32 s14, $0x3;
	s13 =	sshrl.u32 s15, $0x3  }
0x10: {  	s14 =	sshrl.u32 @!p0 s16, $0x3;
	s15 =	simm.s32 $0x0;
	s6 =	sadd.s32 s12, s26  }
0x11: {  	s7 =	sadd.s32 $0x27000, s30;
	s9 =	sadd.s32 $0x4400, s31;
	s12 =	simm.s32 $0x80  }
.LBB2_1:
0x12: {  	[spmem:s10], [sflag:s5] =	dma.local [hbm:s4], $0x2780  }
0x13: {  	_ =	swait.ge [sflag:s11], $0x2780  }
0x14: {  	[sflag:s11] =	ssyncset.done $0x0  }
0x15: {  	[sflag:s11] =	ssyncadd.s32 $0xFFFFD880  }
0x16: {  	[tilespmem:s12], [sflag:$0x1] =	stream.linear.gather [hbm4b:s3+s2], $0x4000, $0x38;
	[tilespmem:$0x17C80] =	vst v63  }
0x17: {  	_ =	swait.ge [sflag:s11], $0x4000  }
0x18: {  	[sflag:s11] =	ssyncset.done $0x0  }
0x19: {  	[sflag:s11] =	ssyncadd.s32 $0xFFFFC000  }
0x1a: {  	s16 =	sadd.s32 $0x0, s9;
	[bflag:$0x0] =	sbarrier.arrive $0xFFFF  }
0x1b: {  	[tilespmem:s2], [sflag:$0x1] =	stream.linear.gather [hbm4b:s16+s2], $0x80, $0x38;
	[tilespmem:$0x17C80] =	vst v63  }
0x1c: {  	_ =	swait.ge [sflag:s11], $0x80  }
0x1d: {  	[sflag:s11] =	ssyncset.done $0x0  }
0x1e: {  	[sflag:s11] =	ssyncadd.s32 $0xFFFFFF80  }
0x1f: {  	[spmem:s1] =	stream.indirect.scatter.add.f32 [tilespmem:s12], [sflag:$0x1], $0x80, s2, s12, $0xb8;
	[tilespmem:$0x17C80] =	vst v63  }
0x20: {  	_ =	swait.ge [sflag:s11], $0x4000  }
0x21: {  	s17 =	simm.s32 $0x20;
	s16 =	simm.s32 $0x10;
	[sflag:s11] =	ssyncset.done $0x0  }
.LBB2_2:
0x22: {  	s18 =	sadd.s32 s16, s9  }
0x23: {  	[sflag:s11] =	ssyncadd.s32 $0xFFFFC000;
	s16 =	smov.u32 s17;
	s19 =	sadd.s32 $0x10, s17  }
0x24: {  	[tilespmem:s2], [sflag:$0x1] =	stream.linear.gather [hbm4b:s18+s2], $0x80, $0x38;
	[tilespmem:$0x17C80] =	vst v63  }
0x25: {  	p1 =	sne.s32 s17, $0x4E0;
	_ =	swait.ge [sflag:s11], $0x80  }
.Ltmp0:
0x26: {  	[sflag:s11] =	ssyncset.done $0x0;
	(pc) =	sbr.rel @p1 .LBB2_2-.Ltmp0, $4  }
0x27: {  	[sflag:s11] =	ssyncadd.s32 $0xFFFFFF80  }
0x28: {  	[spmem:s1] =	stream.indirect.scatter.add.f32 [tilespmem:s12], [sflag:$0x1], $0x80, s2, s12, $0xb8;
	[tilespmem:$0x17C80] =	vst v63  }
0x29: {  	_ =	swait.ge [sflag:s11], $0x4000  }
0x2a: {  	s17 =	smov.u32 s19;
	[sflag:s11] =	ssyncset.done $0x0  }
0x2b: {  	s16 =	sadd.s32 s16, s9;
	[sflag:s11] =	ssyncadd.s32 $0xFFFFC000  }
0x2c: {  	[tilespmem:s2], [sflag:$0x1] =	stream.linear.gather [hbm4b:s16+s2], $0x80, $0x38;
	[tilespmem:$0x17C80] =	vst v63  }
0x2d: {  	_ =	swait.ge [sflag:s11], $0x80  }
0x2e: {  	[sflag:s11] =	ssyncset.done $0x0  }
0x2f: {  	[sflag:s11] =	ssyncadd.s32 $0xFFFFFF80  }
0x30: {  	[spmem:s1] =	stream.indirect.scatter.add.f32 [tilespmem:s12], [sflag:$0x1], $0x80, s2, s12, $0xb8;
	[tilespmem:$0x17C80] =	vst v63  }
0x31: {  	_ =	swait.ge [sflag:s11], $0x4000  }
0x32: {  	[sflag:s11] =	ssyncset.done $0x0  }
0x33: {  	[sflag:s11] =	ssyncadd.s32 $0xFFFFC000  }
0x34: {  	[bflag:$0x0] =	sbarrier.arrive $0xFFFF  }
0x35: {  	[hbm:s6], [sflag:s5] =	dma.local [spmem:s13], $0x2700  }
0x36: {  	s15 =	sadd.s32 $0x1, s15;
	_ =	swait.ge [sflag:s11], $0x2700  }
0x37: {  	p1 =	sne.s32 s15, s8;
	[sflag:s11] =	ssyncset.done $0x0  }
.Ltmp1:
0x38: {  	s16 =	simm.s32 @!p0 $0x1;
	[sflag:s11] =	ssyncadd.s32 $0xFFFFD900;
	(pc) =	sbr.rel @p1 .LBB2_1-.Ltmp1, $4  }
0x39: {  	[hbm:s7], [sflag:s5] =	dma.local @!p0 [spmem:s14], $0x100  }
0x3a: {  	_ =	swait.ge @!p0 [sflag:s16], $0x100  }
0x3b: {  	[sflag:s16] =	ssyncset.done @!p0 $0x0  }
0x3c: {  	[sflag:s16] =	ssyncadd.s32 @!p0 $0xFFFFFF00  }
0x3d: {  	_ =	sfence.sel $0x180000  }
0x3e: {  	[bflag:$0x0] =	sbarrier.arrive $0xFFFF  }
0x3f: {  	_ =	strace $0x90000047  }
0x40: {  	s0 =	sadd.s32 @!p0 $0x100000, s0;
	[bflag:$0x2] =	sbarrier.arrive $0xFFFF  }
0x41: {  	[sflag:s0] =	ssyncadd.tile.s32 @!p0 $0x1;
	_ =	shalt  }
.Lfunc_end2:
_tile_overlayer_lowered:
.L_overlay_start_2:
0x42: {  	(tag) =	ssettag $0x2  }
0x43: {  	s0 =	rddreg [dreg:$0x0];
	s2 =	stileid.u32  }
0x44: {  	s1 =	rddreg [dreg:$0x1];
	p0 =	sne.s32 s2, $0x0  }
0x45: {  	s3 =	rddreg [dreg:$0x2];
	[bflag:$0x3] =	sbarrier.arrive $0xFFFF;
	s2 =	simm.s32 @!p0 $0x1C01  }
0x46: {  	[timem:s3], [sflag:s2] =	dma.local @!p0 [hbm:s0], s1  }
0x47: {  	s0 =	simm.s32 @!p0 $0x1  }
0x48: {  	_ =	swait.ge @!p0 [sflag:s0], s1  }
0x49: {  	s1 =	ssub.s32 @!p0 $0x0, s1;
	[sflag:s0] =	ssyncset.done @!p0 $0x0  }
0x4a: {  	[sflag:s0] =	ssyncadd.s32 @!p0 s1  }
0x4b: {  	[bflag:$0x3] =	sbarrier.arrive $0xFFFF  }
0x4c: {  	_ =	shalt  }

// kernel: kernel.13.cloned.1.call-start
scs
__scs_entry_jumppad:
0x0: {  	(pc) =	sbr.rel $0x88, $3  }
0x1: {  	(tag) =	ssettag $0x0;
	lr =	simm.s32 $0x1  }
0x2: {  	[smem:$0x3F8E] =	sst lr;
	_ =	strace $0xD0000000  }
0x3: {  	_ = 	snop  }
0x4: {  	_ = 	snop  }
0x5: {  	_ = 	snop  }
0x6: {  	_ = 	snop  }
0x7: {  	_ = 	snop  }
__scs_overlays_trampoline_lowered:
0x8: {  	[smem:$0x3F9D] =	sst s0  }
0x9: {  	[smem:$0x3F9E] =	sst s1  }
0xa: {  	[smem:$0x3F9F] =	sst s2  }
0xb: {  	[smem:$0x3FA0] =	sst s3  }
0xc: {  	[smem:$0x3FA1] =	sst s4  }
0xd: {  	[smem:$0x3FA2] =	sst s5  }
0xe: {  	[smem:$0x3FA3] =	sst s6  }
0xf: {  	[smem:$0x3FA4] =	sst s7  }
0x10: {  	[smem:$0x3FA5] =	sst s8  }
0x11: {  	[smem:$0x3FA6] =	sst s9;
	s0 =	simm.s32 @!p0 $0x0  }
0x12: {  	s1 =	sld [smem:$0x3F8C];
	s0 =	simm.s32 @p0 $0x1  }
0x13: {  	[smem:$0x3FA7] =	sst s0;
	s0 =	simm.s32 @!p1 $0x0  }
0x14: {  	s2 =	sld [smem:$0x3F8B];
	s0 =	simm.s32 @p1 $0x1  }
0x15: {  	[smem:$0x3FA8] =	sst s0;
	s0 =	simm.s32 @!p2 $0x0  }
0x16: {  	s3 =	sld [smem:$0x3FDB];
	s0 =	simm.s32 @p2 $0x1  }
0x17: {  	s4 =	simm.s32 $0x1BF5;
	[smem:$0x3FAA] =	sst s0  }
0x18: {  	s0 =	sld [smem:$0x3F8D];
	_ =	swait.ge [sflag:s4], $0x0  }
0x19: {  	s7 =	sld [smem:$0x3F8E]  }
0x1a: {  	s8 =	sadd.s32 $0xFFFFE003, lr  }
0x1b: {  	s9 =	sadd.s32 $0xFFFFFEF7, lr;
	s5 =	simm.s32 $0xFFFFFFFF;
	p2 =	slt.u32 s8, $0xFFFFF086  }
0x1c: {  	p1 =	slt.u32 s9, $0xF7A;
	s5 =	simm.s32 @!p2 $0x0  }
0x1d: {  	s5 =	simm.s32 @p1 $0x1;
	p0 =	seq.s32 s7, s2  }
0x1e: {  	s7 =	smul.u32 @!p0 $0xF7A, s2;
	p2 =	seq.s32 @!p0 s5, $0x0  }
0x1f: {  	s9 =	smul.u32 $0xF7A, s1;
	s8 =	simm.s32 @!p0 $0x1BF5;
	p2 =	por !p2, p0  }
0x20: {  	[sflag:s8] =	ssyncset.s32 @!p0 $0xFFFFF086;
	s6 =	sadd.s32 @!p0 s3, s7;
	s7 =	simm.s32 @!p0 $0x108  }
0x21: {  	s3 =	sadd.s32 s3, s9;
	s6 =	sadd.s32 @!p0 $0x88, s6;
	s7 =	simm.s32 @p2 $0x1082  }
0x22: {  	[simem:s7], [sflag:s8] =	dma.local @!p0 [hbm:s6], $0xF7A  }
0x23: {  	s9 =	sor.u32 $0xD0000000, s2;
	s6 =	simm.s32 $0x108;
	_ =	swait.ge @!p0 [sflag:s8], $0x0  }
0x24: {  	s3 =	sadd.s32 $0x88, s3;
	s6 =	simm.s32 @!p1 $0x1082;
	[sflag:s4] =	ssyncset.s32 $0xFFFFF086  }
0x25: {  	[simem:s6], [sflag:s4] =	dma.local [hbm:s3], $0xF7A  }
0x26: {  	[smem:$0x3F8E] =	sst s1;
	(tag) =	ssettag s2;
	_ =	strace s9  }
0x27: {  	s1 =	sld [smem:$0x3F9E]  }
0x28: {  	s2 =	sld [smem:$0x3F9F]  }
0x29: {  	s4 =	sld [smem:$0x3FA1]  }
0x2a: {  	p0 =	seq.s32 s5, $0x0;
	s5 =	sld [smem:$0x3FA2]  }
0x2b: {  	s6 =	sld [smem:$0x3FA3]  }
0x2c: {  	s7 =	sld [smem:$0x3FA4]  }
0x2d: {  	s3 =	simm.s32 $0x108;
	s8 =	sld [smem:$0x3FA5]  }
0x2e: {  	s3 =	simm.s32 @!p0 $0x1082;
	s9 =	sld [smem:$0x3FA6]  }
0x2f: {  	lr =	sadd.s32 s0, s3;
	s0 =	sld [smem:$0x3F9D]  }
0x30: {  	s3 =	sld [smem:$0x3FA0]  }
0x31: {  	[smem:$0x3FA9] =	sst s10  }
0x32: {  	s10 =	sld [smem:$0x3FA7];
	_ =	sdelay $0x3  }
0x33: {  	p0 =	seq.s32 s10, $0x1;
	s10 =	sld [smem:$0x3FA9];
	_ =	sdelay $0x3  }
0x34: {  	[smem:$0x3FA9] =	sst s10  }
0x35: {  	s10 =	sld [smem:$0x3FA8];
	_ =	sdelay $0x3  }
0x36: {  	p1 =	seq.s32 s10, $0x1;
	s10 =	sld [smem:$0x3FA9];
	_ =	sdelay $0x3  }
0x37: {  	[smem:$0x3FA9] =	sst s10  }
0x38: {  	s10 =	sld [smem:$0x3FAA]  }
0x39: {  	_ = 	snop;
	(pc) =	sbr.ind lr, $3  }
0x3a: {  	_ = 	snop  }
0x3b: {  	_ = 	snop  }
0x3c: {  	p2 =	seq.s32 s10, $0x1;
	s10 =	sld [smem:$0x3FA9]  }
0x3d: {  	_ =	shalt  }
0x3e: {  	_ =	shalt  }
0x3f: {  	_ =	shalt  }
0x40: {  	_ =	shalt  }
0x41: {  	_ =	shalt  }
0x42: {  	_ =	shalt  }
0x43: {  	_ =	shalt  }
0x44: {  	_ =	shalt  }
0x45: {  	_ =	shalt  }
0x46: {  	_ =	shalt  }
0x47: {  	_ =	shalt  }
0x48: {  	_ =	shalt  }
0x49: {  	_ =	shalt  }
0x4a: {  	_ =	shalt  }
0x4b: {  	_ =	shalt  }
0x4c: {  	_ =	shalt  }
0x4d: {  	_ =	shalt  }
0x4e: {  	_ =	shalt  }
0x4f: {  	_ =	shalt  }
0x50: {  	_ =	shalt  }
0x51: {  	_ =	shalt  }
0x52: {  	_ =	shalt  }
0x53: {  	_ =	shalt  }
0x54: {  	_ =	shalt  }
0x55: {  	_ =	shalt  }
0x56: {  	_ =	shalt  }
0x57: {  	_ =	shalt  }
0x58: {  	_ =	shalt  }
0x59: {  	_ =	shalt  }
0x5a: {  	_ =	shalt  }
0x5b: {  	_ =	shalt  }
0x5c: {  	_ =	shalt  }
0x5d: {  	_ =	shalt  }
0x5e: {  	_ =	shalt  }
0x5f: {  	_ =	shalt  }
0x60: {  	_ =	shalt  }
0x61: {  	_ =	shalt  }
0x62: {  	_ =	shalt  }
0x63: {  	_ =	shalt  }
0x64: {  	_ =	shalt  }
0x65: {  	_ =	shalt  }
0x66: {  	_ =	shalt  }
0x67: {  	_ =	shalt  }
0x68: {  	_ =	shalt  }
0x69: {  	_ =	shalt  }
0x6a: {  	_ =	shalt  }
0x6b: {  	_ =	shalt  }
0x6c: {  	_ =	shalt  }
0x6d: {  	_ =	shalt  }
0x6e: {  	_ =	shalt  }
0x6f: {  	_ =	shalt  }
0x70: {  	_ =	shalt  }
0x71: {  	_ =	shalt  }
0x72: {  	_ =	shalt  }
0x73: {  	_ =	shalt  }
0x74: {  	_ =	shalt  }
0x75: {  	_ =	shalt  }
0x76: {  	_ =	shalt  }
0x77: {  	_ =	shalt  }
0x78: {  	_ =	shalt  }
0x79: {  	_ =	shalt  }
0x7a: {  	_ =	shalt  }
0x7b: {  	_ =	shalt  }
0x7c: {  	_ =	shalt  }
0x7d: {  	_ =	shalt  }
0x7e: {  	_ =	shalt  }
0x7f: {  	_ =	shalt  }
0x80: {  	_ =	shalt  }
0x81: {  	_ =	shalt  }
0x82: {  	_ =	shalt  }
0x83: {  	_ =	shalt  }
0x84: {  	_ =	shalt  }
0x85: {  	_ =	shalt  }
0x86: {  	_ =	shalt  }
0x87: {  	_ =	shalt  }
.Lfunc_end0:
.L_simem_size_0:
called_computation.1_lowered:
.L_overlay_start_0:
0x88: {  	s2 =	sld [smem:$0x3FD9]  }
0x89: {  	s3 =	sld [smem:$0x3FFE];
	_ =	sdelay $0x1  }
0x8a: {  	s1 =	srdreg.scid  }
0x8b: {  	s0 =	sand.u32 $0x1, s1  }
0x8c: {  	s16 =	sshll.u32 s0, $0xA;
	s2 =	sadd.s32 s3, s2  }
0x8d: {  	s2 =	sadd.s32 s2, s16  }
0x8e: {  	[smem:$0x3FB5] =	sst s2  }
0x8f: {  	_ = 	snop  }
0x90: {  	(tm) =	ssettm $0x1  }
0x91: {  	s17 =	sld [smem:$0x3FFB];
	_ =	sdelay $0x3  }
0x92: {  	_ =	strace s17  }
0x93: {  	s2 =	sld [smem:$0x3FFC];
	_ =	sdelay $0x3  }
0x94: {  	_ =	strace s2  }
0x95: {  	s2 =	sld [smem:$0x3FFD];
	_ =	sdelay $0x3  }
0x96: {  	_ =	strace s2  }
0x97: {  	_ =	strace $0x8FFFFFFF  }
0x98: {  	s18 =	sld [smem:$0x3FDB];
	_ =	sdelay $0x1  }
0x99: {  	s19 =	simm.s32 $_scs_section_size  }
0x9a: {  	s4 =	simm.s32 $_size__tile_overlayer_lowered;
	s5 =	simm.s32 $_tile_overlayer_lowered  }
0x9b: {  	s22 =	simm.s32 $0x1BFF;
	s21 =	sshll.u32 s5, $0x1;
	s2 =	sadd.s32 s19, s18  }
0x9c: {  	s6 =	simm.s32 $0x0;
	s20 =	sshll.u32 s4, $0x1;
	s4 =	sadd.s32 s21, s2  }
0x9d: {  	[timem:s6], [sflag:s22] =	dma.local [hbm:s4], s20  }
0x9e: {  	_ =	swait.ge [sflag:s22], s20  }
0x9f: {  	s3 =	ssub.s32 $0x0, s20;
	[sflag:s22] =	ssyncset.done $0x0  }
0xa0: {  	[sflag:s22] =	ssyncadd.s32 s3;
	_ =	sdelay $0x1  }
0xa1: {  	s23 =	simm.s32 $0x1B8B  }
0xa2: {  	_ =	swait.ge [sflag:s23], $0x1  }
0xa3: {  	[sflag:s23] =	ssyncset.done $0x0  }
0xa4: {  	s25 =	simm.s32 $0x1B8E;
	s24 =	sld [smem:$0x3FFE];
	[sflag:s23] =	ssyncadd.s32 $0xFFFFFFFF  }
0xa5: {  	s26 =	simm.s32 $execute0_lowered;
	[smem:$0x3FD2] =	sst s25  }
0xa6: {  	s4 =	sshll.u32 s26, $0x1;
	_ =	strace $0x80000049;
	[dreg:$0x1] =	wrdreg $0xFFFFFFFF  }
0xa7: {  	s28 =	simm.s32 $_size_execute0_lowered;
	s2 =	sadd.s32 s2, s4;
	[dreg:$0x0] =	wrdreg $0x0  }
0xa8: {  	s4 =	sshll.u32 s28, $0x1;
	[dreg:$0x2] =	wrdreg s2  }
0xa9: {  	[dreg:$0x3] =	wrdreg s4  }
0xaa: {  	[dreg:$0x4] =	wrdreg $0xC0  }
0xab: {  	_ =	task [dreg:s6], $0x5FFFF  }
0xac: {  	[dreg:$0x1] =	wrdreg $0xFFFFFFFF  }
0xad: {  	[dreg:$0x0] =	wrdreg $0x60  }
0xae: {  	[dreg:$0x2] =	wrdreg s24  }
0xaf: {  	[dreg:$0x3] =	wrdreg $0x41000  }
0xb0: {  	[dreg:$0x4] =	wrdreg $0x9  }
0xb1: {  	_ =	task.clear_ibuf [dreg:s6], $0x5FFFF;
	_ =	strace $0x90000049  }
0xb2: {  	s29 =	simm.s32 $0x9;
	_ =	strace $0x8000004B  }
0xb3: {  	_ =	swait.ge [sflag:s29], $0x1  }
0xb4: {  	[sflag:s29] =	ssyncadd.s32 $0xFFFFFFFF  }
0xb5: {  	_ =	strace $0x9000004B  }
0xb6: {  	_ =	sfence  }
0xb7: {  	s30 =	sld [smem:$0x0];
	_ =	sdelay $0x2  }
0xb8: {  	s31 =	sshll.u32 s1, $0xD;
	s1 =	sshrl.u32 s1, $0x2  }
0xb9: {  	s3 =	sand.u32 $0x4000, s31;
	s1 =	sadd.s32 s1, s30  }
0xba: {  	s0 =	sor.u32 s3, s0;
	s1 =	sshll.u32 s1, $0x11  }
0xbb: {  	s0 =	sor.u32 s1, s0  }
0xbc: {  	s0 =	sadd.s32 $0x8F2B, s0  }
0xbd: {  	[sflag:s0] =	ssyncadd.remote.s32 $0x1  }
0xbe: {  	_ =	sfence.sel $0xFFFF  }
0xbf: {  	[dreg:$0x0] =	wrdreg $0xFFFFFFFF;
	(pc) =	sbr.abs _section_cstart, $3  }
0xc0: {  	[dreg:$0x1] =	wrdreg $0xFFFFFFFF  }
0xc1: {  	_ =	task.clear_ibuf [dreg:s6], $0x2FFFF;
	_ =	strace $0x9FFFFFFF  }
0xc2: {  	(tm) =	ssettm $0x7FFFFFFF  }
0xc3: {  	_ =	shalt  }
tec
execute0_lowered:
.L_overlay_start_1:
0x0: {  	(tag) =	ssettag $0x1  }
0x1: {  	s4 =	rddreg [dreg:$0x0]  }
0x2: {  	s1 =	rddreg [dreg:$0x1]  }
0x3: {  	s0 =	rddreg [dreg:$0x2];
	s2 =	simm.s32 $0x0;
	s16 =	stileid.u32  }
0x4: {  	s3 =	srdreg.scid;
	s14 =	simm.s32 $0x100;
	s7 =	smul.u32 $0x2780, s16  }
0x5: {  	s15 =	simm.s32 $0x1;
	[smem:$0x7FF] =	sst s2;
	s22 =	smul.u32 $0x4F000, s16  }
0x6: {  	s5 =	sand.u32 $0x1, s3;
	s3 =	sadd.s32 $0x8E200, s4;
	s11 =	smul.u32 $0x13800, s16  }
0x7: {  	s12 =	sadd.s32 $0xB5400, s4;
	s24 =	sshll.u32 s16, $0x6;
	s26 =	smul.u32 $0x4E000, s16  }
0x8: {  	s29 =	smul.u32 $0x4F0, s16;
	s18 =	sadd.s32 $0x138000, s1;
	p0 =	sne.s32 s16, $0x0  }
0x9: {  	s6 =	smul.u32 $0x4F00, s5;
	_ =	strace $0x8000004A;
	s9 =	ssub.s32 $0x2, s5  }
0xa: {  	s10 =	smul.u32 $0x138800, s5;
	s5 =	sor.u32 $0x1C02, s24;
	s7 =	sadd.s32 s7, s4  }
0xb: {  	s23 =	sshrl.u32 s9, $0x1;
	s28 =	sshrl.u32 s26, $0x2;
	s8 =	sadd.s32 s6, s4  }
0xc: {  	s6 =	sshrl.u32 s22, $0x2;
	s9 =	ssub.s32 s9, s23;
	s25 =	sadd.s32 s11, s10  }
0xd: {  	s4 =	sadd.s32 $0xE200, s7;
	s10 =	sshrl.u32 s10, $0x3;
	s17 =	sadd.s32 s28, s1  }
0xe: {  	s13 =	sadd.s32 s6, s1;
	s6 =	sshrl.u32 s25, $0x3;
	s30 =	sadd.s32 s12, s10  }
0xf: {  	s31 =	sadd.s32 s29, s8;
	s8 =	smax.u32 s9, $0x1;
	s16 =	sshrl.u32 s17, $0x3  }
0x10: {  	s17 =	sshrl.u32 @!p0 s18, $0x3;
	s18 =	simm.s32 $0x0;
	s6 =	sadd.s32 s12, s6  }
0x11: {  	s7 =	sadd.s32 $0x27000, s30;
	s9 =	sadd.s32 $0x4400, s31;
	s10 =	sadd.s32 $0x84400, s31  }
0x12: {  	s11 =	sshrl.u32 s13, $0x3;
	s12 =	simm.s32 $0x2;
	s13 =	simm.s32 $0x80  }
.LBB2_1:
0x13: {  	[spmem:s11], [sflag:s5] =	dma.local [hbm:s4], $0x2780  }
0x14: {  	_ =	swait.ge [sflag:s12], $0x2780  }
0x15: {  	[sflag:s12] =	ssyncset.done $0x0  }
0x16: {  	[sflag:s12] =	ssyncadd.s32 $0xFFFFD880  }
0x17: {  	s19 =	sadd.s32 $0x0, s10;
	[bflag:$0x0] =	sbarrier.arrive $0xFFFF  }
0x18: {  	[tilespmem:s2], [sflag:$0x2] =	stream.linear.gather [hbm4b:s19+s2], $0x80, $0x38;
	[tilespmem:$0x17D00] =	vst v63  }
0x19: {  	_ =	swait.ge [sflag:s12], $0x80  }
0x1a: {  	[sflag:s12] =	ssyncset.done $0x0  }
0x1b: {  	s31 =	sadd.s32 $0x0, s9;
	[sflag:s12] =	ssyncadd.s32 $0xFFFFFF80  }
0x1c: {  	[tilespmem:s13], [sflag:$0x2] =	stream.linear.gather [hbm4b:s31+s2], $0x80, $0x38;
	[tilespmem:$0x17D00] =	vst v63  }
0x1d: {  	_ =	swait.ge [sflag:s12], $0x80  }
0x1e: {  	[sflag:s12] =	ssyncset.done $0x0  }
0x1f: {  	[sflag:s12] =	ssyncadd.s32 $0xFFFFFF80  }
0x20: {  	[tilespmem:s14], [sflag:$0x1] =	stream.indirect.gather [hbm4b:s3+s13], $0x80, s2, s13, $0xb8;
	[tilespmem:$0x17D00] =	vst v63  }
0x21: {  	_ =	swait.ge [sflag:s15], $0x4000  }
0x22: {  	[sflag:s15] =	ssyncset.done $0x0  }
0x23: {  	[sflag:s15] =	ssyncadd.s32 $0xFFFFC000  }
0x24: {  	[spmem:s1] =	stream.indirect.scatter.add.f32 [tilespmem:s14], [sflag:$0x2], $0x80, s13, s13, $0xb8;
	[tilespmem:$0x17D00] =	vst v63  }
0x25: {  	_ =	swait.ge [sflag:s12], $0x4000  }
0x26: {  	s20 =	simm.s32 $0x20;
	s19 =	simm.s32 $0x10;
	[sflag:s12] =	ssyncset.done $0x0  }
.LBB2_2:
0x27: {  	s21 =	sadd.s32 s19, s10  }
0x28: {  	[sflag:s12] =	ssyncadd.s32 $0xFFFFC000;
	s22 =	smov.u32 s20;
	s23 =	sadd.s32 $0x10, s20  }
0x29: {  	[tilespmem:s2], [sflag:$0x2] =	stream.linear.gather [hbm4b:s21+s2], $0x80, $0x38;
	[tilespmem:$0x17D00] =	vst v63  }
0x2a: {  	p1 =	sne.s32 s20, $0x4E0;
	_ =	swait.ge [sflag:s12], $0x80  }
0x2b: {  	[sflag:s12] =	ssyncset.done $0x0  }
0x2c: {  	s20 =	sadd.s32 s19, s9;
	s19 =	smov.u32 s22;
	[sflag:s12] =	ssyncadd.s32 $0xFFFFFF80  }
0x2d: {  	[tilespmem:s13], [sflag:$0x2] =	stream.linear.gather [hbm4b:s20+s2], $0x80, $0x38;
	[tilespmem:$0x17D00] =	vst v63  }
0x2e: {  	_ =	swait.ge [sflag:s12], $0x80  }
0x2f: {  	[sflag:s12] =	ssyncset.done $0x0  }
0x30: {  	[sflag:s12] =	ssyncadd.s32 $0xFFFFFF80  }
0x31: {  	[tilespmem:s14], [sflag:$0x1] =	stream.indirect.gather [hbm4b:s3+s13], $0x80, s2, s13, $0xb8;
	[tilespmem:$0x17D00] =	vst v63  }
0x32: {  	_ =	swait.ge [sflag:s15], $0x4000  }
.Ltmp0:
0x33: {  	[sflag:s15] =	ssyncset.done $0x0;
	(pc) =	sbr.rel @p1 .LBB2_2-.Ltmp0, $4  }
0x34: {  	[sflag:s15] =	ssyncadd.s32 $0xFFFFC000  }
0x35: {  	[spmem:s1] =	stream.indirect.scatter.add.f32 [tilespmem:s14], [sflag:$0x2], $0x80, s13, s13, $0xb8;
	[tilespmem:$0x17D00] =	vst v63  }
0x36: {  	_ =	swait.ge [sflag:s12], $0x4000  }
0x37: {  	s20 =	smov.u32 s23;
	[sflag:s12] =	ssyncset.done $0x0  }
0x38: {  	s20 =	sadd.s32 s19, s10;
	[sflag:s12] =	ssyncadd.s32 $0xFFFFC000  }
0x39: {  	[tilespmem:s2], [sflag:$0x2] =	stream.linear.gather [hbm4b:s20+s2], $0x80, $0x38;
	[tilespmem:$0x17D00] =	vst v63  }
0x3a: {  	_ =	swait.ge [sflag:s12], $0x80  }
0x3b: {  	[sflag:s12] =	ssyncset.done $0x0  }
0x3c: {  	s31 =	sadd.s32 s19, s9;
	[sflag:s12] =	ssyncadd.s32 $0xFFFFFF80  }
0x3d: {  	[tilespmem:s13], [sflag:$0x2] =	stream.linear.gather [hbm4b:s31+s2], $0x80, $0x38;
	[tilespmem:$0x17D00] =	vst v63  }
0x3e: {  	_ =	swait.ge [sflag:s12], $0x80  }
0x3f: {  	[sflag:s12] =	ssyncset.done $0x0  }
0x40: {  	[sflag:s12] =	ssyncadd.s32 $0xFFFFFF80  }
0x41: {  	[tilespmem:s14], [sflag:$0x1] =	stream.indirect.gather [hbm4b:s3+s13], $0x80, s2, s13, $0xb8;
	[tilespmem:$0x17D00] =	vst v63  }
0x42: {  	_ =	swait.ge [sflag:s15], $0x4000  }
0x43: {  	[sflag:s15] =	ssyncset.done $0x0  }
0x44: {  	[sflag:s15] =	ssyncadd.s32 $0xFFFFC000  }
0x45: {  	[spmem:s1] =	stream.indirect.scatter.add.f32 [tilespmem:s14], [sflag:$0x2], $0x80, s13, s13, $0xb8;
	[tilespmem:$0x17D00] =	vst v63  }
0x46: {  	_ =	swait.ge [sflag:s12], $0x4000  }
0x47: {  	[sflag:s12] =	ssyncset.done $0x0  }
0x48: {  	[sflag:s12] =	ssyncadd.s32 $0xFFFFC000  }
0x49: {  	[bflag:$0x0] =	sbarrier.arrive $0xFFFF  }
0x4a: {  	[hbm:s6], [sflag:s5] =	dma.local [spmem:s16], $0x2700  }
0x4b: {  	s18 =	sadd.s32 $0x1, s18;
	_ =	swait.ge [sflag:s12], $0x2700  }
0x4c: {  	p1 =	sne.s32 s18, s8;
	[sflag:s12] =	ssyncset.done $0x0  }
.Ltmp1:
0x4d: {  	s19 =	simm.s32 @!p0 $0x2;
	[sflag:s12] =	ssyncadd.s32 $0xFFFFD900;
	(pc) =	sbr.rel @p1 .LBB2_1-.Ltmp1, $4  }
0x4e: {  	[hbm:s7], [sflag:s5] =	dma.local @!p0 [spmem:s17], $0x100  }
0x4f: {  	_ =	swait.ge @!p0 [sflag:s19], $0x100  }
0x50: {  	[sflag:s19] =	ssyncset.done @!p0 $0x0  }
0x51: {  	[sflag:s19] =	ssyncadd.s32 @!p0 $0xFFFFFF00  }
0x52: {  	_ =	sfence.sel $0x180000  }
0x53: {  	[bflag:$0x0] =	sbarrier.arrive $0xFFFF  }
0x54: {  	_ =	strace $0x9000004A  }
0x55: {  	s0 =	sadd.s32 @!p0 $0x100000, s0;
	[bflag:$0x2] =	sbarrier.arrive $0xFFFF  }
0x56: {  	[sflag:s0] =	ssyncadd.tile.s32 @!p0 $0x1;
	_ =	shalt  }
.Lfunc_end2:
_tile_overlayer_lowered:
.L_overlay_start_2:
0x57: {  	(tag) =	ssettag $0x2  }
0x58: {  	s0 =	rddreg [dreg:$0x0];
	s2 =	stileid.u32  }
0x59: {  	s1 =	rddreg [dreg:$0x1];
	p0 =	sne.s32 s2, $0x0  }
0x5a: {  	s3 =	rddreg [dreg:$0x2];
	[bflag:$0x3] =	sbarrier.arrive $0xFFFF;
	s2 =	simm.s32 @!p0 $0x1C02  }
0x5b: {  	[timem:s3], [sflag:s2] =	dma.local @!p0 [hbm:s0], s1  }
0x5c: {  	s0 =	simm.s32 @!p0 $0x2  }
0x5d: {  	_ =	swait.ge @!p0 [sflag:s0], s1  }
0x5e: {  	s1 =	ssub.s32 @!p0 $0x0, s1;
	[sflag:s0] =	ssyncset.done @!p0 $0x0  }
0x5f: {  	[sflag:s0] =	ssyncadd.s32 @!p0 s1  }
0x60: {  	[bflag:$0x3] =	sbarrier.arrive $0xFFFF  }
0x61: {  	_ =	shalt  }

// kernel: kernel.16.cloned.1.call-start
scs
__scs_entry_jumppad:
0x0: {  	(pc) =	sbr.rel $0x88, $3  }
0x1: {  	(tag) =	ssettag $0x0;
	lr =	simm.s32 $0x1  }
0x2: {  	[smem:$0x3F8E] =	sst lr;
	_ =	strace $0xD0000000  }
0x3: {  	_ = 	snop  }
0x4: {  	_ = 	snop  }
0x5: {  	_ = 	snop  }
0x6: {  	_ = 	snop  }
0x7: {  	_ = 	snop  }
__scs_overlays_trampoline_lowered:
0x8: {  	[smem:$0x3F9D] =	sst s0  }
0x9: {  	[smem:$0x3F9E] =	sst s1  }
0xa: {  	[smem:$0x3F9F] =	sst s2  }
0xb: {  	[smem:$0x3FA0] =	sst s3  }
0xc: {  	[smem:$0x3FA1] =	sst s4  }
0xd: {  	[smem:$0x3FA2] =	sst s5  }
0xe: {  	[smem:$0x3FA3] =	sst s6  }
0xf: {  	[smem:$0x3FA4] =	sst s7  }
0x10: {  	[smem:$0x3FA5] =	sst s8  }
0x11: {  	[smem:$0x3FA6] =	sst s9;
	s0 =	simm.s32 @!p0 $0x0  }
0x12: {  	s1 =	sld [smem:$0x3F8C];
	s0 =	simm.s32 @p0 $0x1  }
0x13: {  	[smem:$0x3FA7] =	sst s0;
	s0 =	simm.s32 @!p1 $0x0  }
0x14: {  	s2 =	sld [smem:$0x3F8B];
	s0 =	simm.s32 @p1 $0x1  }
0x15: {  	[smem:$0x3FA8] =	sst s0;
	s0 =	simm.s32 @!p2 $0x0  }
0x16: {  	s3 =	sld [smem:$0x3FDB];
	s0 =	simm.s32 @p2 $0x1  }
0x17: {  	s4 =	simm.s32 $0x1BF5;
	[smem:$0x3FAA] =	sst s0  }
0x18: {  	s0 =	sld [smem:$0x3F8D];
	_ =	swait.ge [sflag:s4], $0x0  }
0x19: {  	s7 =	sld [smem:$0x3F8E]  }
0x1a: {  	s8 =	sadd.s32 $0xFFFFE003, lr  }
0x1b: {  	s9 =	sadd.s32 $0xFFFFFEF7, lr;
	s5 =	simm.s32 $0xFFFFFFFF;
	p2 =	slt.u32 s8, $0xFFFFF086  }
0x1c: {  	p1 =	slt.u32 s9, $0xF7A;
	s5 =	simm.s32 @!p2 $0x0  }
0x1d: {  	s5 =	simm.s32 @p1 $0x1;
	p0 =	seq.s32 s7, s2  }
0x1e: {  	s7 =	smul.u32 @!p0 $0xF7A, s2;
	p2 =	seq.s32 @!p0 s5, $0x0  }
0x1f: {  	s9 =	smul.u32 $0xF7A, s1;
	s8 =	simm.s32 @!p0 $0x1BF5;
	p2 =	por !p2, p0  }
0x20: {  	[sflag:s8] =	ssyncset.s32 @!p0 $0xFFFFF086;
	s6 =	sadd.s32 @!p0 s3, s7;
	s7 =	simm.s32 @!p0 $0x108  }
0x21: {  	s3 =	sadd.s32 s3, s9;
	s6 =	sadd.s32 @!p0 $0x88, s6;
	s7 =	simm.s32 @p2 $0x1082  }
0x22: {  	[simem:s7], [sflag:s8] =	dma.local @!p0 [hbm:s6], $0xF7A  }
0x23: {  	s9 =	sor.u32 $0xD0000000, s2;
	s6 =	simm.s32 $0x108;
	_ =	swait.ge @!p0 [sflag:s8], $0x0  }
0x24: {  	s3 =	sadd.s32 $0x88, s3;
	s6 =	simm.s32 @!p1 $0x1082;
	[sflag:s4] =	ssyncset.s32 $0xFFFFF086  }
0x25: {  	[simem:s6], [sflag:s4] =	dma.local [hbm:s3], $0xF7A  }
0x26: {  	[smem:$0x3F8E] =	sst s1;
	(tag) =	ssettag s2;
	_ =	strace s9  }
0x27: {  	s1 =	sld [smem:$0x3F9E]  }
0x28: {  	s2 =	sld [smem:$0x3F9F]  }
0x29: {  	s4 =	sld [smem:$0x3FA1]  }
0x2a: {  	p0 =	seq.s32 s5, $0x0;
	s5 =	sld [smem:$0x3FA2]  }
0x2b: {  	s6 =	sld [smem:$0x3FA3]  }
0x2c: {  	s7 =	sld [smem:$0x3FA4]  }
0x2d: {  	s3 =	simm.s32 $0x108;
	s8 =	sld [smem:$0x3FA5]  }
0x2e: {  	s3 =	simm.s32 @!p0 $0x1082;
	s9 =	sld [smem:$0x3FA6]  }
0x2f: {  	lr =	sadd.s32 s0, s3;
	s0 =	sld [smem:$0x3F9D]  }
0x30: {  	s3 =	sld [smem:$0x3FA0]  }
0x31: {  	[smem:$0x3FA9] =	sst s10  }
0x32: {  	s10 =	sld [smem:$0x3FA7];
	_ =	sdelay $0x3  }
0x33: {  	p0 =	seq.s32 s10, $0x1;
	s10 =	sld [smem:$0x3FA9];
	_ =	sdelay $0x3  }
0x34: {  	[smem:$0x3FA9] =	sst s10  }
0x35: {  	s10 =	sld [smem:$0x3FA8];
	_ =	sdelay $0x3  }
0x36: {  	p1 =	seq.s32 s10, $0x1;
	s10 =	sld [smem:$0x3FA9];
	_ =	sdelay $0x3  }
0x37: {  	[smem:$0x3FA9] =	sst s10  }
0x38: {  	s10 =	sld [smem:$0x3FAA]  }
0x39: {  	_ = 	snop;
	(pc) =	sbr.ind lr, $3  }
0x3a: {  	_ = 	snop  }
0x3b: {  	_ = 	snop  }
0x3c: {  	p2 =	seq.s32 s10, $0x1;
	s10 =	sld [smem:$0x3FA9]  }
0x3d: {  	_ =	shalt  }
0x3e: {  	_ =	shalt  }
0x3f: {  	_ =	shalt  }
0x40: {  	_ =	shalt  }
0x41: {  	_ =	shalt  }
0x42: {  	_ =	shalt  }
0x43: {  	_ =	shalt  }
0x44: {  	_ =	shalt  }
0x45: {  	_ =	shalt  }
0x46: {  	_ =	shalt  }
0x47: {  	_ =	shalt  }
0x48: {  	_ =	shalt  }
0x49: {  	_ =	shalt  }
0x4a: {  	_ =	shalt  }
0x4b: {  	_ =	shalt  }
0x4c: {  	_ =	shalt  }
0x4d: {  	_ =	shalt  }
0x4e: {  	_ =	shalt  }
0x4f: {  	_ =	shalt  }
0x50: {  	_ =	shalt  }
0x51: {  	_ =	shalt  }
0x52: {  	_ =	shalt  }
0x53: {  	_ =	shalt  }
0x54: {  	_ =	shalt  }
0x55: {  	_ =	shalt  }
0x56: {  	_ =	shalt  }
0x57: {  	_ =	shalt  }
0x58: {  	_ =	shalt  }
0x59: {  	_ =	shalt  }
0x5a: {  	_ =	shalt  }
0x5b: {  	_ =	shalt  }
0x5c: {  	_ =	shalt  }
0x5d: {  	_ =	shalt  }
0x5e: {  	_ =	shalt  }
0x5f: {  	_ =	shalt  }
0x60: {  	_ =	shalt  }
0x61: {  	_ =	shalt  }
0x62: {  	_ =	shalt  }
0x63: {  	_ =	shalt  }
0x64: {  	_ =	shalt  }
0x65: {  	_ =	shalt  }
0x66: {  	_ =	shalt  }
0x67: {  	_ =	shalt  }
0x68: {  	_ =	shalt  }
0x69: {  	_ =	shalt  }
0x6a: {  	_ =	shalt  }
0x6b: {  	_ =	shalt  }
0x6c: {  	_ =	shalt  }
0x6d: {  	_ =	shalt  }
0x6e: {  	_ =	shalt  }
0x6f: {  	_ =	shalt  }
0x70: {  	_ =	shalt  }
0x71: {  	_ =	shalt  }
0x72: {  	_ =	shalt  }
0x73: {  	_ =	shalt  }
0x74: {  	_ =	shalt  }
0x75: {  	_ =	shalt  }
0x76: {  	_ =	shalt  }
0x77: {  	_ =	shalt  }
0x78: {  	_ =	shalt  }
0x79: {  	_ =	shalt  }
0x7a: {  	_ =	shalt  }
0x7b: {  	_ =	shalt  }
0x7c: {  	_ =	shalt  }
0x7d: {  	_ =	shalt  }
0x7e: {  	_ =	shalt  }
0x7f: {  	_ =	shalt  }
0x80: {  	_ =	shalt  }
0x81: {  	_ =	shalt  }
0x82: {  	_ =	shalt  }
0x83: {  	_ =	shalt  }
0x84: {  	_ =	shalt  }
0x85: {  	_ =	shalt  }
0x86: {  	_ =	shalt  }
0x87: {  	_ =	shalt  }
.Lfunc_end0:
.L_simem_size_0:
called_computation.2_lowered:
.L_overlay_start_0:
0x88: {  	s2 =	sld [smem:$0x3FD9]  }
0x89: {  	s3 =	sld [smem:$0x3FFE];
	_ =	sdelay $0x1  }
0x8a: {  	s1 =	srdreg.scid  }
0x8b: {  	s0 =	sand.u32 $0x1, s1  }
0x8c: {  	s16 =	sshll.u32 s0, $0xA;
	s2 =	sadd.s32 s3, s2  }
0x8d: {  	s2 =	sadd.s32 s2, s16  }
0x8e: {  	[smem:$0x3FB5] =	sst s2  }
0x8f: {  	_ = 	snop  }
0x90: {  	(tm) =	ssettm $0x1  }
0x91: {  	s17 =	sld [smem:$0x3FFB];
	_ =	sdelay $0x3  }
0x92: {  	_ =	strace s17  }
0x93: {  	s2 =	sld [smem:$0x3FFC];
	_ =	sdelay $0x3  }
0x94: {  	_ =	strace s2  }
0x95: {  	s2 =	sld [smem:$0x3FFD];
	_ =	sdelay $0x3  }
0x96: {  	_ =	strace s2  }
0x97: {  	_ =	strace $0x8FFFFFFF  }
0x98: {  	s18 =	sld [smem:$0x3FDB];
	_ =	sdelay $0x1  }
0x99: {  	s19 =	simm.s32 $_scs_section_size  }
0x9a: {  	s4 =	simm.s32 $_size__tile_overlayer_lowered;
	s5 =	simm.s32 $_tile_overlayer_lowered  }
0x9b: {  	s22 =	simm.s32 $0x1BFF;
	s21 =	sshll.u32 s5, $0x1;
	s2 =	sadd.s32 s19, s18  }
0x9c: {  	s6 =	simm.s32 $0x0;
	s20 =	sshll.u32 s4, $0x1;
	s4 =	sadd.s32 s21, s2  }
0x9d: {  	[timem:s6], [sflag:s22] =	dma.local [hbm:s4], s20  }
0x9e: {  	_ =	swait.ge [sflag:s22], s20  }
0x9f: {  	s3 =	ssub.s32 $0x0, s20;
	[sflag:s22] =	ssyncset.done $0x0  }
0xa0: {  	[sflag:s22] =	ssyncadd.s32 s3;
	_ =	sdelay $0x1  }
0xa1: {  	s23 =	simm.s32 $0x1B8B  }
0xa2: {  	_ =	swait.ge [sflag:s23], $0x1  }
0xa3: {  	[sflag:s23] =	ssyncset.done $0x0  }
0xa4: {  	s25 =	simm.s32 $0x1B8E;
	s24 =	sld [smem:$0x3FFE];
	[sflag:s23] =	ssyncadd.s32 $0xFFFFFFFF  }
0xa5: {  	s26 =	simm.s32 $execute0_lowered;
	[smem:$0x3FD2] =	sst s25  }
0xa6: {  	s4 =	sshll.u32 s26, $0x1;
	_ =	strace $0x8000004C;
	[dreg:$0x1] =	wrdreg $0xFFFFFFFF  }
0xa7: {  	s28 =	simm.s32 $_size_execute0_lowered;
	s2 =	sadd.s32 s2, s4;
	[dreg:$0x0] =	wrdreg $0x0  }
0xa8: {  	s4 =	sshll.u32 s28, $0x1;
	[dreg:$0x2] =	wrdreg s2  }
0xa9: {  	[dreg:$0x3] =	wrdreg s4  }
0xaa: {  	[dreg:$0x4] =	wrdreg $0xC0  }
0xab: {  	_ =	task [dreg:s6], $0x5FFFF  }
0xac: {  	[dreg:$0x1] =	wrdreg $0xFFFFFFFF  }
0xad: {  	[dreg:$0x0] =	wrdreg $0x60  }
0xae: {  	[dreg:$0x2] =	wrdreg s24  }
0xaf: {  	[dreg:$0x3] =	wrdreg $0x41000  }
0xb0: {  	[dreg:$0x4] =	wrdreg $0x9  }
0xb1: {  	_ =	task.clear_ibuf [dreg:s6], $0x5FFFF;
	_ =	strace $0x9000004C  }
0xb2: {  	s29 =	simm.s32 $0x9;
	_ =	strace $0x8000004E  }
0xb3: {  	_ =	swait.ge [sflag:s29], $0x1  }
0xb4: {  	[sflag:s29] =	ssyncadd.s32 $0xFFFFFFFF  }
0xb5: {  	_ =	strace $0x9000004E  }
0xb6: {  	_ =	sfence  }
0xb7: {  	s30 =	sld [smem:$0x0];
	_ =	sdelay $0x2  }
0xb8: {  	s31 =	sshll.u32 s1, $0xD;
	s1 =	sshrl.u32 s1, $0x2  }
0xb9: {  	s3 =	sand.u32 $0x4000, s31;
	s1 =	sadd.s32 s1, s30  }
0xba: {  	s0 =	sor.u32 s3, s0;
	s1 =	sshll.u32 s1, $0x11  }
0xbb: {  	s0 =	sor.u32 s1, s0  }
0xbc: {  	s0 =	sadd.s32 $0x8F2B, s0  }
0xbd: {  	[sflag:s0] =	ssyncadd.remote.s32 $0x1  }
0xbe: {  	_ =	sfence.sel $0xFFFF  }
0xbf: {  	[dreg:$0x0] =	wrdreg $0xFFFFFFFF;
	(pc) =	sbr.abs _section_cstart, $3  }
0xc0: {  	[dreg:$0x1] =	wrdreg $0xFFFFFFFF  }
0xc1: {  	_ =	task.clear_ibuf [dreg:s6], $0x2FFFF;
	_ =	strace $0x9FFFFFFF  }
0xc2: {  	(tm) =	ssettm $0x7FFFFFFF  }
0xc3: {  	_ =	shalt  }
tec
execute0_lowered:
.L_overlay_start_1:
0x0: {  	(tag) =	ssettag $0x1  }
0x1: {  	s4 =	rddreg [dreg:$0x0]  }
0x2: {  	s1 =	rddreg [dreg:$0x1]  }
0x3: {  	s0 =	rddreg [dreg:$0x2];
	s2 =	simm.s32 $0x0;
	s16 =	stileid.u32  }
0x4: {  	s3 =	srdreg.scid;
	s14 =	simm.s32 $0x100;
	s7 =	smul.u32 $0x2780, s16  }
0x5: {  	s15 =	simm.s32 $0x1;
	[smem:$0x7FF] =	sst s2;
	s22 =	smul.u32 $0x4F000, s16  }
0x6: {  	s5 =	sand.u32 $0x1, s3;
	s3 =	sadd.s32 $0x8E200, s4;
	s11 =	smul.u32 $0x13800, s16  }
0x7: {  	s12 =	sadd.s32 $0xB5400, s4;
	s24 =	sshll.u32 s16, $0x6;
	s26 =	smul.u32 $0x4E000, s16  }
0x8: {  	s29 =	smul.u32 $0x4F0, s16;
	s18 =	sadd.s32 $0x138000, s1;
	p0 =	sne.s32 s16, $0x0  }
0x9: {  	s6 =	smul.u32 $0x4F00, s5;
	_ =	strace $0x8000004D;
	s9 =	ssub.s32 $0x2, s5  }
0xa: {  	s10 =	smul.u32 $0x138800, s5;
	s5 =	sor.u32 $0x1C02, s24;
	s7 =	sadd.s32 s7, s4  }
0xb: {  	s23 =	sshrl.u32 s9, $0x1;
	s28 =	sshrl.u32 s26, $0x2;
	s8 =	sadd.s32 s6, s4  }
0xc: {  	s6 =	sshrl.u32 s22, $0x2;
	s9 =	ssub.s32 s9, s23;
	s25 =	sadd.s32 s11, s10  }
0xd: {  	s4 =	sadd.s32 $0xE200, s7;
	s10 =	sshrl.u32 s10, $0x3;
	s17 =	sadd.s32 s28, s1  }
0xe: {  	s13 =	sadd.s32 s6, s1;
	s6 =	sshrl.u32 s25, $0x3;
	s30 =	sadd.s32 s12, s10  }
0xf: {  	s31 =	sadd.s32 s29, s8;
	s8 =	smax.u32 s9, $0x1;
	s16 =	sshrl.u32 s17, $0x3  }
0x10: {  	s17 =	sshrl.u32 @!p0 s18, $0x3;
	s18 =	simm.s32 $0x0;
	s6 =	sadd.s32 s12, s6  }
0x11: {  	s7 =	sadd.s32 $0x27000, s30;
	s9 =	sadd.s32 $0x4400, s31;
	s10 =	sadd.s32 $0x84400, s31  }
0x12: {  	s11 =	sshrl.u32 s13, $0x3;
	s12 =	simm.s32 $0x2;
	s13 =	simm.s32 $0x80  }
.LBB2_1:
0x13: {  	[spmem:s11], [sflag:s5] =	dma.local [hbm:s4], $0x2780  }
0x14: {  	_ =	swait.ge [sflag:s12], $0x2780  }
0x15: {  	[sflag:s12] =	ssyncset.done $0x0  }
0x16: {  	[sflag:s12] =	ssyncadd.s32 $0xFFFFD880  }
0x17: {  	s19 =	sadd.s32 $0x0, s10;
	[bflag:$0x0] =	sbarrier.arrive $0xFFFF  }
0x18: {  	[tilespmem:s2], [sflag:$0x2] =	stream.linear.gather [hbm4b:s19+s2], $0x80, $0x38;
	[tilespmem:$0x17D00] =	vst v63  }
0x19: {  	_ =	swait.ge [sflag:s12], $0x80  }
0x1a: {  	[sflag:s12] =	ssyncset.done $0x0  }
0x1b: {  	s31 =	sadd.s32 $0x0, s9;
	[sflag:s12] =	ssyncadd.s32 $0xFFFFFF80  }
0x1c: {  	[tilespmem:s13], [sflag:$0x2] =	stream.linear.gather [hbm4b:s31+s2], $0x80, $0x38;
	[tilespmem:$0x17D00] =	vst v63  }
0x1d: {  	_ =	swait.ge [sflag:s12], $0x80  }
0x1e: {  	[sflag:s12] =	ssyncset.done $0x0  }
0x1f: {  	[sflag:s12] =	ssyncadd.s32 $0xFFFFFF80  }
0x20: {  	[tilespmem:s14], [sflag:$0x1] =	stream.indirect.gather [hbm4b:s3+s13], $0x80, s2, s13, $0xb8;
	[tilespmem:$0x17D00] =	vst v63  }
0x21: {  	_ =	swait.ge [sflag:s15], $0x4000  }
0x22: {  	[sflag:s15] =	ssyncset.done $0x0  }
0x23: {  	[sflag:s15] =	ssyncadd.s32 $0xFFFFC000  }
0x24: {  	[spmem:s1] =	stream.indirect.scatter.add.f32 [tilespmem:s14], [sflag:$0x2], $0x80, s13, s13, $0xb8;
	[tilespmem:$0x17D00] =	vst v63  }
0x25: {  	_ =	swait.ge [sflag:s12], $0x4000  }
0x26: {  	s20 =	simm.s32 $0x20;
	s19 =	simm.s32 $0x10;
	[sflag:s12] =	ssyncset.done $0x0  }
.LBB2_2:
0x27: {  	s21 =	sadd.s32 s19, s10  }
0x28: {  	[sflag:s12] =	ssyncadd.s32 $0xFFFFC000;
	s22 =	smov.u32 s20;
	s23 =	sadd.s32 $0x10, s20  }
0x29: {  	[tilespmem:s2], [sflag:$0x2] =	stream.linear.gather [hbm4b:s21+s2], $0x80, $0x38;
	[tilespmem:$0x17D00] =	vst v63  }
0x2a: {  	p1 =	sne.s32 s20, $0x4E0;
	_ =	swait.ge [sflag:s12], $0x80  }
0x2b: {  	[sflag:s12] =	ssyncset.done $0x0  }
0x2c: {  	s20 =	sadd.s32 s19, s9;
	s19 =	smov.u32 s22;
	[sflag:s12] =	ssyncadd.s32 $0xFFFFFF80  }
0x2d: {  	[tilespmem:s13], [sflag:$0x2] =	stream.linear.gather [hbm4b:s20+s2], $0x80, $0x38;
	[tilespmem:$0x17D00] =	vst v63  }
0x2e: {  	_ =	swait.ge [sflag:s12], $0x80  }
0x2f: {  	[sflag:s12] =	ssyncset.done $0x0  }
0x30: {  	[sflag:s12] =	ssyncadd.s32 $0xFFFFFF80  }
0x31: {  	[tilespmem:s14], [sflag:$0x1] =	stream.indirect.gather [hbm4b:s3+s13], $0x80, s2, s13, $0xb8;
	[tilespmem:$0x17D00] =	vst v63  }
0x32: {  	_ =	swait.ge [sflag:s15], $0x4000  }
.Ltmp0:
0x33: {  	[sflag:s15] =	ssyncset.done $0x0;
	(pc) =	sbr.rel @p1 .LBB2_2-.Ltmp0, $4  }
0x34: {  	[sflag:s15] =	ssyncadd.s32 $0xFFFFC000  }
0x35: {  	[spmem:s1] =	stream.indirect.scatter.add.f32 [tilespmem:s14], [sflag:$0x2], $0x80, s13, s13, $0xb8;
	[tilespmem:$0x17D00] =	vst v63  }
0x36: {  	_ =	swait.ge [sflag:s12], $0x4000  }
0x37: {  	s20 =	smov.u32 s23;
	[sflag:s12] =	ssyncset.done $0x0  }
0x38: {  	s20 =	sadd.s32 s19, s10;
	[sflag:s12] =	ssyncadd.s32 $0xFFFFC000  }
0x39: {  	[tilespmem:s2], [sflag:$0x2] =	stream.linear.gather [hbm4b:s20+s2], $0x80, $0x38;
	[tilespmem:$0x17D00] =	vst v63  }
0x3a: {  	_ =	swait.ge [sflag:s12], $0x80  }
0x3b: {  	[sflag:s12] =	ssyncset.done $0x0  }
0x3c: {  	s31 =	sadd.s32 s19, s9;
	[sflag:s12] =	ssyncadd.s32 $0xFFFFFF80  }
0x3d: {  	[tilespmem:s13], [sflag:$0x2] =	stream.linear.gather [hbm4b:s31+s2], $0x80, $0x38;
	[tilespmem:$0x17D00] =	vst v63  }
0x3e: {  	_ =	swait.ge [sflag:s12], $0x80  }
0x3f: {  	[sflag:s12] =	ssyncset.done $0x0  }
0x40: {  	[sflag:s12] =	ssyncadd.s32 $0xFFFFFF80  }
0x41: {  	[tilespmem:s14], [sflag:$0x1] =	stream.indirect.gather [hbm4b:s3+s13], $0x80, s2, s13, $0xb8;
	[tilespmem:$0x17D00] =	vst v63  }
0x42: {  	_ =	swait.ge [sflag:s15], $0x4000  }
0x43: {  	[sflag:s15] =	ssyncset.done $0x0  }
0x44: {  	[sflag:s15] =	ssyncadd.s32 $0xFFFFC000  }
0x45: {  	[spmem:s1] =	stream.indirect.scatter.add.f32 [tilespmem:s14], [sflag:$0x2], $0x80, s13, s13, $0xb8;
	[tilespmem:$0x17D00] =	vst v63  }
0x46: {  	_ =	swait.ge [sflag:s12], $0x4000  }
0x47: {  	[sflag:s12] =	ssyncset.done $0x0  }
0x48: {  	[sflag:s12] =	ssyncadd.s32 $0xFFFFC000  }
0x49: {  	[bflag:$0x0] =	sbarrier.arrive $0xFFFF  }
0x4a: {  	[hbm:s6], [sflag:s5] =	dma.local [spmem:s16], $0x2700  }
0x4b: {  	s18 =	sadd.s32 $0x1, s18;
	_ =	swait.ge [sflag:s12], $0x2700  }
0x4c: {  	p1 =	sne.s32 s18, s8;
	[sflag:s12] =	ssyncset.done $0x0  }
.Ltmp1:
0x4d: {  	s19 =	simm.s32 @!p0 $0x2;
	[sflag:s12] =	ssyncadd.s32 $0xFFFFD900;
	(pc) =	sbr.rel @p1 .LBB2_1-.Ltmp1, $4  }
0x4e: {  	[hbm:s7], [sflag:s5] =	dma.local @!p0 [spmem:s17], $0x100  }
0x4f: {  	_ =	swait.ge @!p0 [sflag:s19], $0x100  }
0x50: {  	[sflag:s19] =	ssyncset.done @!p0 $0x0  }
0x51: {  	[sflag:s19] =	ssyncadd.s32 @!p0 $0xFFFFFF00  }
0x52: {  	_ =	sfence.sel $0x180000  }
0x53: {  	[bflag:$0x0] =	sbarrier.arrive $0xFFFF  }
0x54: {  	_ =	strace $0x9000004D  }
0x55: {  	s0 =	sadd.s32 @!p0 $0x100000, s0;
	[bflag:$0x2] =	sbarrier.arrive $0xFFFF  }
0x56: {  	[sflag:s0] =	ssyncadd.tile.s32 @!p0 $0x1;
	_ =	shalt  }
.Lfunc_end2:
_tile_overlayer_lowered:
.L_overlay_start_2:
0x57: {  	(tag) =	ssettag $0x2  }
0x58: {  	s0 =	rddreg [dreg:$0x0];
	s2 =	stileid.u32  }
0x59: {  	s1 =	rddreg [dreg:$0x1];
	p0 =	sne.s32 s2, $0x0  }
0x5a: {  	s3 =	rddreg [dreg:$0x2];
	[bflag:$0x3] =	sbarrier.arrive $0xFFFF;
	s2 =	simm.s32 @!p0 $0x1C02  }
0x5b: {  	[timem:s3], [sflag:s2] =	dma.local @!p0 [hbm:s0], s1  }
0x5c: {  	s0 =	simm.s32 @!p0 $0x2  }
0x5d: {  	_ =	swait.ge @!p0 [sflag:s0], s1  }
0x5e: {  	s1 =	ssub.s32 @!p0 $0x0, s1;
	[sflag:s0] =	ssyncset.done @!p0 $0x0  }
0x5f: {  	[sflag:s0] =	ssyncadd.s32 @!p0 s1  }
0x60: {  	[bflag:$0x3] =	sbarrier.arrive $0xFFFF  }
0x61: {  	_ =	shalt  }

// kernel: kernel.19.cloned.1.call-start
scs
__scs_entry_jumppad:
0x0: {  	(pc) =	sbr.rel $0x88, $3  }
0x1: {  	(tag) =	ssettag $0x0;
	lr =	simm.s32 $0x1  }
0x2: {  	[smem:$0x3F8E] =	sst lr;
	_ =	strace $0xD0000000  }
0x3: {  	_ = 	snop  }
0x4: {  	_ = 	snop  }
0x5: {  	_ = 	snop  }
0x6: {  	_ = 	snop  }
0x7: {  	_ = 	snop  }
__scs_overlays_trampoline_lowered:
0x8: {  	[smem:$0x3F9D] =	sst s0  }
0x9: {  	[smem:$0x3F9E] =	sst s1  }
0xa: {  	[smem:$0x3F9F] =	sst s2  }
0xb: {  	[smem:$0x3FA0] =	sst s3  }
0xc: {  	[smem:$0x3FA1] =	sst s4  }
0xd: {  	[smem:$0x3FA2] =	sst s5  }
0xe: {  	[smem:$0x3FA3] =	sst s6  }
0xf: {  	[smem:$0x3FA4] =	sst s7  }
0x10: {  	[smem:$0x3FA5] =	sst s8  }
0x11: {  	[smem:$0x3FA6] =	sst s9;
	s0 =	simm.s32 @!p0 $0x0  }
0x12: {  	s1 =	sld [smem:$0x3F8C];
	s0 =	simm.s32 @p0 $0x1  }
0x13: {  	[smem:$0x3FA7] =	sst s0;
	s0 =	simm.s32 @!p1 $0x0  }
0x14: {  	s2 =	sld [smem:$0x3F8B];
	s0 =	simm.s32 @p1 $0x1  }
0x15: {  	[smem:$0x3FA8] =	sst s0;
	s0 =	simm.s32 @!p2 $0x0  }
0x16: {  	s3 =	sld [smem:$0x3FDB];
	s0 =	simm.s32 @p2 $0x1  }
0x17: {  	s4 =	simm.s32 $0x1BF5;
	[smem:$0x3FAA] =	sst s0  }
0x18: {  	s0 =	sld [smem:$0x3F8D];
	_ =	swait.ge [sflag:s4], $0x0  }
0x19: {  	s7 =	sld [smem:$0x3F8E]  }
0x1a: {  	s8 =	sadd.s32 $0xFFFFE003, lr  }
0x1b: {  	s9 =	sadd.s32 $0xFFFFFEF7, lr;
	s5 =	simm.s32 $0xFFFFFFFF;
	p2 =	slt.u32 s8, $0xFFFFF086  }
0x1c: {  	p1 =	slt.u32 s9, $0xF7A;
	s5 =	simm.s32 @!p2 $0x0  }
0x1d: {  	s5 =	simm.s32 @p1 $0x1;
	p0 =	seq.s32 s7, s2  }
0x1e: {  	s7 =	smul.u32 @!p0 $0xF7A, s2;
	p2 =	seq.s32 @!p0 s5, $0x0  }
0x1f: {  	s9 =	smul.u32 $0xF7A, s1;
	s8 =	simm.s32 @!p0 $0x1BF5;
	p2 =	por !p2, p0  }
0x20: {  	[sflag:s8] =	ssyncset.s32 @!p0 $0xFFFFF086;
	s6 =	sadd.s32 @!p0 s3, s7;
	s7 =	simm.s32 @!p0 $0x108  }
0x21: {  	s3 =	sadd.s32 s3, s9;
	s6 =	sadd.s32 @!p0 $0x88, s6;
	s7 =	simm.s32 @p2 $0x1082  }
0x22: {  	[simem:s7], [sflag:s8] =	dma.local @!p0 [hbm:s6], $0xF7A  }
0x23: {  	s9 =	sor.u32 $0xD0000000, s2;
	s6 =	simm.s32 $0x108;
	_ =	swait.ge @!p0 [sflag:s8], $0x0  }
0x24: {  	s3 =	sadd.s32 $0x88, s3;
	s6 =	simm.s32 @!p1 $0x1082;
	[sflag:s4] =	ssyncset.s32 $0xFFFFF086  }
0x25: {  	[simem:s6], [sflag:s4] =	dma.local [hbm:s3], $0xF7A  }
0x26: {  	[smem:$0x3F8E] =	sst s1;
	(tag) =	ssettag s2;
	_ =	strace s9  }
0x27: {  	s1 =	sld [smem:$0x3F9E]  }
0x28: {  	s2 =	sld [smem:$0x3F9F]  }
0x29: {  	s4 =	sld [smem:$0x3FA1]  }
0x2a: {  	p0 =	seq.s32 s5, $0x0;
	s5 =	sld [smem:$0x3FA2]  }
0x2b: {  	s6 =	sld [smem:$0x3FA3]  }
0x2c: {  	s7 =	sld [smem:$0x3FA4]  }
0x2d: {  	s3 =	simm.s32 $0x108;
	s8 =	sld [smem:$0x3FA5]  }
0x2e: {  	s3 =	simm.s32 @!p0 $0x1082;
	s9 =	sld [smem:$0x3FA6]  }
0x2f: {  	lr =	sadd.s32 s0, s3;
	s0 =	sld [smem:$0x3F9D]  }
0x30: {  	s3 =	sld [smem:$0x3FA0]  }
0x31: {  	[smem:$0x3FA9] =	sst s10  }
0x32: {  	s10 =	sld [smem:$0x3FA7];
	_ =	sdelay $0x3  }
0x33: {  	p0 =	seq.s32 s10, $0x1;
	s10 =	sld [smem:$0x3FA9];
	_ =	sdelay $0x3  }
0x34: {  	[smem:$0x3FA9] =	sst s10  }
0x35: {  	s10 =	sld [smem:$0x3FA8];
	_ =	sdelay $0x3  }
0x36: {  	p1 =	seq.s32 s10, $0x1;
	s10 =	sld [smem:$0x3FA9];
	_ =	sdelay $0x3  }
0x37: {  	[smem:$0x3FA9] =	sst s10  }
0x38: {  	s10 =	sld [smem:$0x3FAA]  }
0x39: {  	_ = 	snop;
	(pc) =	sbr.ind lr, $3  }
0x3a: {  	_ = 	snop  }
0x3b: {  	_ = 	snop  }
0x3c: {  	p2 =	seq.s32 s10, $0x1;
	s10 =	sld [smem:$0x3FA9]  }
0x3d: {  	_ =	shalt  }
0x3e: {  	_ =	shalt  }
0x3f: {  	_ =	shalt  }
0x40: {  	_ =	shalt  }
0x41: {  	_ =	shalt  }
0x42: {  	_ =	shalt  }
0x43: {  	_ =	shalt  }
0x44: {  	_ =	shalt  }
0x45: {  	_ =	shalt  }
0x46: {  	_ =	shalt  }
0x47: {  	_ =	shalt  }
0x48: {  	_ =	shalt  }
0x49: {  	_ =	shalt  }
0x4a: {  	_ =	shalt  }
0x4b: {  	_ =	shalt  }
0x4c: {  	_ =	shalt  }
0x4d: {  	_ =	shalt  }
0x4e: {  	_ =	shalt  }
0x4f: {  	_ =	shalt  }
0x50: {  	_ =	shalt  }
0x51: {  	_ =	shalt  }
0x52: {  	_ =	shalt  }
0x53: {  	_ =	shalt  }
0x54: {  	_ =	shalt  }
0x55: {  	_ =	shalt  }
0x56: {  	_ =	shalt  }
0x57: {  	_ =	shalt  }
0x58: {  	_ =	shalt  }
0x59: {  	_ =	shalt  }
0x5a: {  	_ =	shalt  }
0x5b: {  	_ =	shalt  }
0x5c: {  	_ =	shalt  }
0x5d: {  	_ =	shalt  }
0x5e: {  	_ =	shalt  }
0x5f: {  	_ =	shalt  }
0x60: {  	_ =	shalt  }
0x61: {  	_ =	shalt  }
0x62: {  	_ =	shalt  }
0x63: {  	_ =	shalt  }
0x64: {  	_ =	shalt  }
0x65: {  	_ =	shalt  }
0x66: {  	_ =	shalt  }
0x67: {  	_ =	shalt  }
0x68: {  	_ =	shalt  }
0x69: {  	_ =	shalt  }
0x6a: {  	_ =	shalt  }
0x6b: {  	_ =	shalt  }
0x6c: {  	_ =	shalt  }
0x6d: {  	_ =	shalt  }
0x6e: {  	_ =	shalt  }
0x6f: {  	_ =	shalt  }
0x70: {  	_ =	shalt  }
0x71: {  	_ =	shalt  }
0x72: {  	_ =	shalt  }
0x73: {  	_ =	shalt  }
0x74: {  	_ =	shalt  }
0x75: {  	_ =	shalt  }
0x76: {  	_ =	shalt  }
0x77: {  	_ =	shalt  }
0x78: {  	_ =	shalt  }
0x79: {  	_ =	shalt  }
0x7a: {  	_ =	shalt  }
0x7b: {  	_ =	shalt  }
0x7c: {  	_ =	shalt  }
0x7d: {  	_ =	shalt  }
0x7e: {  	_ =	shalt  }
0x7f: {  	_ =	shalt  }
0x80: {  	_ =	shalt  }
0x81: {  	_ =	shalt  }
0x82: {  	_ =	shalt  }
0x83: {  	_ =	shalt  }
0x84: {  	_ =	shalt  }
0x85: {  	_ =	shalt  }
0x86: {  	_ =	shalt  }
0x87: {  	_ =	shalt  }
.Lfunc_end0:
.L_simem_size_0:
called_computation.3_lowered:
.L_overlay_start_0:
0x88: {  	s2 =	sld [smem:$0x3FD9]  }
0x89: {  	s3 =	sld [smem:$0x3FFE];
	_ =	sdelay $0x1  }
0x8a: {  	s1 =	srdreg.scid  }
0x8b: {  	s0 =	sand.u32 $0x1, s1  }
0x8c: {  	s16 =	sshll.u32 s0, $0xA;
	s2 =	sadd.s32 s3, s2  }
0x8d: {  	s2 =	sadd.s32 s2, s16  }
0x8e: {  	[smem:$0x3FB5] =	sst s2  }
0x8f: {  	_ = 	snop  }
0x90: {  	(tm) =	ssettm $0x1  }
0x91: {  	s17 =	sld [smem:$0x3FFB];
	_ =	sdelay $0x3  }
0x92: {  	_ =	strace s17  }
0x93: {  	s2 =	sld [smem:$0x3FFC];
	_ =	sdelay $0x3  }
0x94: {  	_ =	strace s2  }
0x95: {  	s2 =	sld [smem:$0x3FFD];
	_ =	sdelay $0x3  }
0x96: {  	_ =	strace s2  }
0x97: {  	_ =	strace $0x8FFFFFFF  }
0x98: {  	s18 =	sld [smem:$0x3FDB];
	_ =	sdelay $0x1  }
0x99: {  	s19 =	simm.s32 $_scs_section_size  }
0x9a: {  	s4 =	simm.s32 $_size__tile_overlayer_lowered;
	s5 =	simm.s32 $_tile_overlayer_lowered  }
0x9b: {  	s22 =	simm.s32 $0x1BFF;
	s21 =	sshll.u32 s5, $0x1;
	s2 =	sadd.s32 s19, s18  }
0x9c: {  	s6 =	simm.s32 $0x0;
	s20 =	sshll.u32 s4, $0x1;
	s4 =	sadd.s32 s21, s2  }
0x9d: {  	[timem:s6], [sflag:s22] =	dma.local [hbm:s4], s20  }
0x9e: {  	_ =	swait.ge [sflag:s22], s20  }
0x9f: {  	s3 =	ssub.s32 $0x0, s20;
	[sflag:s22] =	ssyncset.done $0x0  }
0xa0: {  	[sflag:s22] =	ssyncadd.s32 s3;
	_ =	sdelay $0x1  }
0xa1: {  	s23 =	simm.s32 $0x1B8B  }
0xa2: {  	_ =	swait.ge [sflag:s23], $0x1  }
0xa3: {  	[sflag:s23] =	ssyncset.done $0x0  }
0xa4: {  	s25 =	simm.s32 $0x1B8E;
	s24 =	sld [smem:$0x3FFE];
	[sflag:s23] =	ssyncadd.s32 $0xFFFFFFFF  }
0xa5: {  	s26 =	simm.s32 $execute0_lowered;
	[smem:$0x3FD2] =	sst s25  }
0xa6: {  	s4 =	sshll.u32 s26, $0x1;
	_ =	strace $0x8000004F;
	[dreg:$0x1] =	wrdreg $0xFFFFFFFF  }
0xa7: {  	s28 =	simm.s32 $_size_execute0_lowered;
	s2 =	sadd.s32 s2, s4;
	[dreg:$0x0] =	wrdreg $0x0  }
0xa8: {  	s4 =	sshll.u32 s28, $0x1;
	[dreg:$0x2] =	wrdreg s2  }
0xa9: {  	[dreg:$0x3] =	wrdreg s4  }
0xaa: {  	[dreg:$0x4] =	wrdreg $0xC0  }
0xab: {  	_ =	task [dreg:s6], $0x5FFFF  }
0xac: {  	[dreg:$0x1] =	wrdreg $0xFFFFFFFF  }
0xad: {  	[dreg:$0x0] =	wrdreg $0x60  }
0xae: {  	[dreg:$0x2] =	wrdreg s24  }
0xaf: {  	[dreg:$0x3] =	wrdreg $0x41000  }
0xb0: {  	[dreg:$0x4] =	wrdreg $0x9  }
0xb1: {  	_ =	task.clear_ibuf [dreg:s6], $0x5FFFF;
	_ =	strace $0x9000004F  }
0xb2: {  	s29 =	simm.s32 $0x9;
	_ =	strace $0x80000051  }
0xb3: {  	_ =	swait.ge [sflag:s29], $0x1  }
0xb4: {  	[sflag:s29] =	ssyncadd.s32 $0xFFFFFFFF  }
0xb5: {  	_ =	strace $0x90000051  }
0xb6: {  	_ =	sfence  }
0xb7: {  	s30 =	sld [smem:$0x0];
	_ =	sdelay $0x2  }
0xb8: {  	s31 =	sshll.u32 s1, $0xD;
	s1 =	sshrl.u32 s1, $0x2  }
0xb9: {  	s3 =	sand.u32 $0x4000, s31;
	s1 =	sadd.s32 s1, s30  }
0xba: {  	s0 =	sor.u32 s3, s0;
	s1 =	sshll.u32 s1, $0x11  }
0xbb: {  	s0 =	sor.u32 s1, s0  }
0xbc: {  	s0 =	sadd.s32 $0x8F2B, s0  }
0xbd: {  	[sflag:s0] =	ssyncadd.remote.s32 $0x1  }
0xbe: {  	_ =	sfence.sel $0xFFFF  }
0xbf: {  	[dreg:$0x0] =	wrdreg $0xFFFFFFFF;
	(pc) =	sbr.abs _section_cstart, $3  }
0xc0: {  	[dreg:$0x1] =	wrdreg $0xFFFFFFFF  }
0xc1: {  	_ =	task.clear_ibuf [dreg:s6], $0x2FFFF;
	_ =	strace $0x9FFFFFFF  }
0xc2: {  	(tm) =	ssettm $0x7FFFFFFF  }
0xc3: {  	_ =	shalt  }
tec
execute0_lowered:
.L_overlay_start_1:
0x0: {  	(tag) =	ssettag $0x1  }
0x1: {  	s4 =	rddreg [dreg:$0x0]  }
0x2: {  	s1 =	rddreg [dreg:$0x1]  }
0x3: {  	s0 =	rddreg [dreg:$0x2];
	s2 =	simm.s32 $0x0;
	s16 =	stileid.u32  }
0x4: {  	s3 =	srdreg.scid;
	s14 =	simm.s32 $0x100;
	s7 =	smul.u32 $0x2780, s16  }
0x5: {  	s15 =	simm.s32 $0x1;
	[smem:$0x7FF] =	sst s2;
	s22 =	smul.u32 $0x4F000, s16  }
0x6: {  	s5 =	sand.u32 $0x1, s3;
	s3 =	sadd.s32 $0x8E200, s4;
	s11 =	smul.u32 $0x13800, s16  }
0x7: {  	s12 =	sadd.s32 $0xB5400, s4;
	s24 =	sshll.u32 s16, $0x6;
	s26 =	smul.u32 $0x4E000, s16  }
0x8: {  	s29 =	smul.u32 $0x4F0, s16;
	s18 =	sadd.s32 $0x138000, s1;
	p0 =	sne.s32 s16, $0x0  }
0x9: {  	s6 =	smul.u32 $0x4F00, s5;
	_ =	strace $0x80000050;
	s9 =	ssub.s32 $0x2, s5  }
0xa: {  	s10 =	smul.u32 $0x138800, s5;
	s5 =	sor.u32 $0x1C02, s24;
	s7 =	sadd.s32 s7, s4  }
0xb: {  	s23 =	sshrl.u32 s9, $0x1;
	s28 =	sshrl.u32 s26, $0x2;
	s8 =	sadd.s32 s6, s4  }
0xc: {  	s6 =	sshrl.u32 s22, $0x2;
	s9 =	ssub.s32 s9, s23;
	s25 =	sadd.s32 s11, s10  }
0xd: {  	s4 =	sadd.s32 $0xE200, s7;
	s10 =	sshrl.u32 s10, $0x3;
	s17 =	sadd.s32 s28, s1  }
0xe: {  	s13 =	sadd.s32 s6, s1;
	s6 =	sshrl.u32 s25, $0x3;
	s30 =	sadd.s32 s12, s10  }
0xf: {  	s31 =	sadd.s32 s29, s8;
	s8 =	smax.u32 s9, $0x1;
	s16 =	sshrl.u32 s17, $0x3  }
0x10: {  	s17 =	sshrl.u32 @!p0 s18, $0x3;
	s18 =	simm.s32 $0x0;
	s6 =	sadd.s32 s12, s6  }
0x11: {  	s7 =	sadd.s32 $0x27000, s30;
	s9 =	sadd.s32 $0x4400, s31;
	s10 =	sadd.s32 $0x84400, s31  }
0x12: {  	s11 =	sshrl.u32 s13, $0x3;
	s12 =	simm.s32 $0x2;
	s13 =	simm.s32 $0x80  }
.LBB2_1:
0x13: {  	[spmem:s11], [sflag:s5] =	dma.local [hbm:s4], $0x2780  }
0x14: {  	_ =	swait.ge [sflag:s12], $0x2780  }
0x15: {  	[sflag:s12] =	ssyncset.done $0x0  }
0x16: {  	[sflag:s12] =	ssyncadd.s32 $0xFFFFD880  }
0x17: {  	s19 =	sadd.s32 $0x0, s10;
	[bflag:$0x0] =	sbarrier.arrive $0xFFFF  }
0x18: {  	[tilespmem:s2], [sflag:$0x2] =	stream.linear.gather [hbm4b:s19+s2], $0x80, $0x38;
	[tilespmem:$0x17D00] =	vst v63  }
0x19: {  	_ =	swait.ge [sflag:s12], $0x80  }
0x1a: {  	[sflag:s12] =	ssyncset.done $0x0  }
0x1b: {  	s31 =	sadd.s32 $0x0, s9;
	[sflag:s12] =	ssyncadd.s32 $0xFFFFFF80  }
0x1c: {  	[tilespmem:s13], [sflag:$0x2] =	stream.linear.gather [hbm4b:s31+s2], $0x80, $0x38;
	[tilespmem:$0x17D00] =	vst v63  }
0x1d: {  	_ =	swait.ge [sflag:s12], $0x80  }
0x1e: {  	[sflag:s12] =	ssyncset.done $0x0  }
0x1f: {  	[sflag:s12] =	ssyncadd.s32 $0xFFFFFF80  }
0x20: {  	[tilespmem:s14], [sflag:$0x1] =	stream.indirect.gather [hbm4b:s3+s13], $0x80, s2, s13, $0xb8;
	[tilespmem:$0x17D00] =	vst v63  }
0x21: {  	_ =	swait.ge [sflag:s15], $0x4000  }
0x22: {  	[sflag:s15] =	ssyncset.done $0x0  }
0x23: {  	[sflag:s15] =	ssyncadd.s32 $0xFFFFC000  }
0x24: {  	[spmem:s1] =	stream.indirect.scatter.add.f32 [tilespmem:s14], [sflag:$0x2], $0x80, s13, s13, $0xb8;
	[tilespmem:$0x17D00] =	vst v63  }
0x25: {  	_ =	swait.ge [sflag:s12], $0x4000  }
0x26: {  	s20 =	simm.s32 $0x20;
	s19 =	simm.s32 $0x10;
	[sflag:s12] =	ssyncset.done $0x0  }
.LBB2_2:
0x27: {  	s21 =	sadd.s32 s19, s10  }
0x28: {  	[sflag:s12] =	ssyncadd.s32 $0xFFFFC000;
	s22 =	smov.u32 s20;
	s23 =	sadd.s32 $0x10, s20  }
0x29: {  	[tilespmem:s2], [sflag:$0x2] =	stream.linear.gather [hbm4b:s21+s2], $0x80, $0x38;
	[tilespmem:$0x17D00] =	vst v63  }
0x2a: {  	p1 =	sne.s32 s20, $0x4E0;
	_ =	swait.ge [sflag:s12], $0x80  }
0x2b: {  	[sflag:s12] =	ssyncset.done $0x0  }
0x2c: {  	s20 =	sadd.s32 s19, s9;
	s19 =	smov.u32 s22;
	[sflag:s12] =	ssyncadd.s32 $0xFFFFFF80  }
0x2d: {  	[tilespmem:s13], [sflag:$0x2] =	stream.linear.gather [hbm4b:s20+s2], $0x80, $0x38;
	[tilespmem:$0x17D00] =	vst v63  }
0x2e: {  	_ =	swait.ge [sflag:s12], $0x80  }
0x2f: {  	[sflag:s12] =	ssyncset.done $0x0  }
0x30: {  	[sflag:s12] =	ssyncadd.s32 $0xFFFFFF80  }
0x31: {  	[tilespmem:s14], [sflag:$0x1] =	stream.indirect.gather [hbm4b:s3+s13], $0x80, s2, s13, $0xb8;
	[tilespmem:$0x17D00] =	vst v63  }
0x32: {  	_ =	swait.ge [sflag:s15], $0x4000  }
.Ltmp0:
0x33: {  	[sflag:s15] =	ssyncset.done $0x0;
	(pc) =	sbr.rel @p1 .LBB2_2-.Ltmp0, $4  }
0x34: {  	[sflag:s15] =	ssyncadd.s32 $0xFFFFC000  }
0x35: {  	[spmem:s1] =	stream.indirect.scatter.add.f32 [tilespmem:s14], [sflag:$0x2], $0x80, s13, s13, $0xb8;
	[tilespmem:$0x17D00] =	vst v63  }
0x36: {  	_ =	swait.ge [sflag:s12], $0x4000  }
0x37: {  	s20 =	smov.u32 s23;
	[sflag:s12] =	ssyncset.done $0x0  }
0x38: {  	s20 =	sadd.s32 s19, s10;
	[sflag:s12] =	ssyncadd.s32 $0xFFFFC000  }
0x39: {  	[tilespmem:s2], [sflag:$0x2] =	stream.linear.gather [hbm4b:s20+s2], $0x80, $0x38;
	[tilespmem:$0x17D00] =	vst v63  }
0x3a: {  	_ =	swait.ge [sflag:s12], $0x80  }
0x3b: {  	[sflag:s12] =	ssyncset.done $0x0  }
0x3c: {  	s31 =	sadd.s32 s19, s9;
	[sflag:s12] =	ssyncadd.s32 $0xFFFFFF80  }
0x3d: {  	[tilespmem:s13], [sflag:$0x2] =	stream.linear.gather [hbm4b:s31+s2], $0x80, $0x38;
	[tilespmem:$0x17D00] =	vst v63  }
0x3e: {  	_ =	swait.ge [sflag:s12], $0x80  }
0x3f: {  	[sflag:s12] =	ssyncset.done $0x0  }
0x40: {  	[sflag:s12] =	ssyncadd.s32 $0xFFFFFF80  }
0x41: {  	[tilespmem:s14], [sflag:$0x1] =	stream.indirect.gather [hbm4b:s3+s13], $0x80, s2, s13, $0xb8;
	[tilespmem:$0x17D00] =	vst v63  }
0x42: {  	_ =	swait.ge [sflag:s15], $0x4000  }
0x43: {  	[sflag:s15] =	ssyncset.done $0x0  }
0x44: {  	[sflag:s15] =	ssyncadd.s32 $0xFFFFC000  }
0x45: {  	[spmem:s1] =	stream.indirect.scatter.add.f32 [tilespmem:s14], [sflag:$0x2], $0x80, s13, s13, $0xb8;
	[tilespmem:$0x17D00] =	vst v63  }
0x46: {  	_ =	swait.ge [sflag:s12], $0x4000  }
0x47: {  	[sflag:s12] =	ssyncset.done $0x0  }
0x48: {  	[sflag:s12] =	ssyncadd.s32 $0xFFFFC000  }
0x49: {  	[bflag:$0x0] =	sbarrier.arrive $0xFFFF  }
0x4a: {  	[hbm:s6], [sflag:s5] =	dma.local [spmem:s16], $0x2700  }
0x4b: {  	s18 =	sadd.s32 $0x1, s18;
	_ =	swait.ge [sflag:s12], $0x2700  }
0x4c: {  	p1 =	sne.s32 s18, s8;
	[sflag:s12] =	ssyncset.done $0x0  }
.Ltmp1:
0x4d: {  	s19 =	simm.s32 @!p0 $0x2;
	[sflag:s12] =	ssyncadd.s32 $0xFFFFD900;
	(pc) =	sbr.rel @p1 .LBB2_1-.Ltmp1, $4  }
0x4e: {  	[hbm:s7], [sflag:s5] =	dma.local @!p0 [spmem:s17], $0x100  }
0x4f: {  	_ =	swait.ge @!p0 [sflag:s19], $0x100  }
0x50: {  	[sflag:s19] =	ssyncset.done @!p0 $0x0  }
0x51: {  	[sflag:s19] =	ssyncadd.s32 @!p0 $0xFFFFFF00  }
0x52: {  	_ =	sfence.sel $0x180000  }
0x53: {  	[bflag:$0x0] =	sbarrier.arrive $0xFFFF  }
0x54: {  	_ =	strace $0x90000050  }
0x55: {  	s0 =	sadd.s32 @!p0 $0x100000, s0;
	[bflag:$0x2] =	sbarrier.arrive $0xFFFF  }
0x56: {  	[sflag:s0] =	ssyncadd.tile.s32 @!p0 $0x1;
	_ =	shalt  }
.Lfunc_end2:
_tile_overlayer_lowered:
.L_overlay_start_2:
0x57: {  	(tag) =	ssettag $0x2  }
0x58: {  	s0 =	rddreg [dreg:$0x0];
	s2 =	stileid.u32  }
0x59: {  	s1 =	rddreg [dreg:$0x1];
	p0 =	sne.s32 s2, $0x0  }
0x5a: {  	s3 =	rddreg [dreg:$0x2];
	[bflag:$0x3] =	sbarrier.arrive $0xFFFF;
	s2 =	simm.s32 @!p0 $0x1C02  }
0x5b: {  	[timem:s3], [sflag:s2] =	dma.local @!p0 [hbm:s0], s1  }
0x5c: {  	s0 =	simm.s32 @!p0 $0x2  }
0x5d: {  	_ =	swait.ge @!p0 [sflag:s0], s1  }
0x5e: {  	s1 =	ssub.s32 @!p0 $0x0, s1;
	[sflag:s0] =	ssyncset.done @!p0 $0x0  }
0x5f: {  	[sflag:s0] =	ssyncadd.s32 @!p0 s1  }
0x60: {  	[bflag:$0x3] =	sbarrier.arrive $0xFFFF  }
0x61: {  	_ =	shalt  }

</sc_bundles>
